<compile_context>
chip_gen: v7x
topology: tpu7x:2x2x1
jax: 0.10.2.dev20260603
libtpu: 0.0.44.dev20260713+nightly
codegen_flags: <defaults>
</compile_context>

<pallas_src>
import functools

import jax
import jax.numpy as jnp
from jax import lax
from jax.experimental import pallas as pl
from jax.experimental.pallas import tpu as pltpu
from jax.experimental.pallas import tpu_sc as plsc

B = 4096
N_CATEGORY = 1000
N_DIM = 16

_INFO = plsc.get_sparse_core_info()
_NC, _NS, _L = _INFO.num_cores, _INFO.num_subcores, _INFO.num_lanes
_NW = _NC * _NS
_B_PER_W = B // _NW
_TASKS = N_DIM * _B_PER_W

_C_STRIDE = N_DIM * B
_TDIM_STRIDE = 8 * B
_ITILE_STRIDE = 8 * 128


def _make_gather_kernel():
    mesh = plsc.VectorSubcoreMesh(core_axis_name="c", subcore_axis_name="s")

    @functools.partial(
        pl.kernel,
        mesh=mesh,
        out_type=jax.ShapeDtypeStruct((2 * B * 8,), jnp.float32),
        scratch_types=[
            pltpu.VMEM((_B_PER_W,), jnp.int32),
            pltpu.VMEM((_B_PER_W,), jnp.int32),
            pltpu.VMEM((_TASKS,), jnp.int32),
            pltpu.VMEM((_TASKS,), jnp.float32),
            pltpu.SemaphoreType.DMA,
            pltpu.SemaphoreType.DMA,
            pltpu.SemaphoreType.DMA,
        ],
        compiler_params=pltpu.CompilerParams(use_tc_tiling_on_sc=False),
    )
    def gather_kernel(
        flat_hbm,
        label_hbm,
        out_hbm,
        lbl_v,
        col_v,
        idx_v,
        buf_v,
        sem_a,
        sem_b,
        sem_w,
    ):
        wid = lax.axis_index("s") * _NC + lax.axis_index("c")
        base = wid * _B_PER_W
        pltpu.sync_copy(label_hbm.at[pl.ds(base, _B_PER_W)], lbl_v)
        lane = lax.iota(jnp.int32, _L)
        col_base = wid * _ITILE_STRIDE
        for b in range(_B_PER_W // _L):
            col_v[pl.ds(b * _L, _L)] = (
                lbl_v[pl.ds(b * _L, _L)] * _C_STRIDE
                + (col_base + b * _L)
                + lane
            )
        half = _TASKS // 2
        copies = []
        for td in range(2):
            for b in range(_B_PER_W // _L):
                colb = col_v[pl.ds(b * _L, _L)]
                for s in range(8):
                    d = td * 8 + s
                    idx_v[pl.ds(d * _B_PER_W + b * _L, _L)] = colb + (
                        td * _TDIM_STRIDE + s * 128
                    )
            copies.append(
                pltpu.async_copy(
                    flat_hbm.at[idx_v.at[pl.ds(td * half, half)]],
                    buf_v.at[pl.ds(td * half, half)],
                    sem_a if td == 0 else sem_b,
                )
            )
        copies[0].wait()
        w0 = pltpu.async_copy(
            buf_v.at[pl.ds(0, half)], out_hbm.at[pl.ds(wid * half, half)], sem_w
        )
        copies[1].wait()
        w1 = pltpu.async_copy(
            buf_v.at[pl.ds(half, half)],
            out_hbm.at[pl.ds(8 * B + wid * half, half)],
            sem_w,
        )
        w0.wait()
        w1.wait()

    return gather_kernel


_GATHER = _make_gather_kernel()


@jax.jit
def kernel(x, label):
    flat = (
        x.transpose(1, 2, 0)
        .reshape(N_CATEGORY, 2, 8, B // 128, 128)
        .transpose(0, 1, 3, 2, 4)
        .reshape(-1)
    )
    out_flat = _GATHER(flat, label.astype(jnp.int32))
    out = (
        out_flat.reshape(2, B // 128, 8, 128)
        .transpose(1, 3, 0, 2)
        .reshape(B, N_DIM)
    )
    return out

# --- scband reference (transcript-rebuilt; emitter-appended) ---
"""Pipeline reference for scband-mask-out-3195455668838 (READ-ONLY COPY).

The authoritative reference and input builder live on the scoring server;
editing this copy changes nothing except your own understanding.
"""

import jax, jax.numpy as jnp
import numpy as np

B = 4096
N_CATEGORY = 1000
N_DIM = 16


def setup_inputs(seed: int = 0) -> dict:
    key = jax.random.key(seed)
    kx, kl = jax.random.split(key)
    x = jax.random.normal(kx, (B, N_CATEGORY, N_DIM), dtype=jnp.float32)
    label = jax.random.randint(kl, (B,), 0, N_CATEGORY, dtype=jnp.int64 if jax.config.jax_enable_x64 else jnp.int32)
    return {"x": x, "label": label}


def reference(x, label):
    # Faithful translation of MaskOut.forward:
    # out = x[arange(B), label]  -> shape (B, N_dim)
    batch = x.shape[0]
    all_idx = jnp.arange(batch)
    out = x[all_idx, label]
    return out

if __name__ == "__main__":
    import jax
    _d = setup_inputs()
    print(jax.jit(kernel)(*tuple(_d.values())))

</pallas_src>

<mosaic_0001>
#map = affine_map<(d0, d1) -> (0)>
module attributes {stable_mosaic.version = 14 : i64} {
  func.func @gather_kernel(%arg0: i32, %arg1: i32, %arg2: memref<65536000xf32, #tpu.memory_space<hbm>>, %arg3: memref<4096xi32, #tpu.memory_space<hbm>>, %arg4: memref<65536xf32, #tpu.memory_space<hbm>>, %arg5: memref<128xi32, #tpu.memory_space<vmem>>, %arg6: memref<128xi32, #tpu.memory_space<vmem>>, %arg7: memref<2048xi32, #tpu.memory_space<vmem>>, %arg8: memref<2048xf32, #tpu.memory_space<vmem>>, %arg9: memref<!tpu.dma_semaphore, #tpu.memory_space<semaphore_mem>>, %arg10: memref<!tpu.dma_semaphore, #tpu.memory_space<semaphore_mem>>, %arg11: memref<!tpu.dma_semaphore, #tpu.memory_space<semaphore_mem>>) attributes {dimension_semantics = [#tpu.dimension_semantics<core_parallel>, #tpu.dimension_semantics<subcore_parallel>], iteration_bounds = array<i64: 2, 16>, scalar_prefetch = 0 : i64, scratch_operands = 7 : i64, tpu.core_type = #tpu.core_type<sc_vector_subcore>, window_params = [{transform_indices = #map}, {transform_indices = #map}, {transform_indices = #map}]} {
    %mul3A = arith.constant 2 : i32
    %mul3A_0 = arith.muli %arg1, %mul3A : i32
    %add3A = arith.addi %mul3A_0, %arg0 : i32
    %mul3A_1 = arith.constant 128 : i32
    %mul3A_2 = arith.muli %add3A, %mul3A_1 : i32
    "tpu.region"() ({
      %run_scoped3A = tpu.sem_alloc : memref<!tpu.dma_semaphore, #tpu.memory_space<semaphore_mem>>
      %dma_start3A_1119 = tpu.memref_slice %arg3[%mul3A_2] : memref<4096xi32, #tpu.memory_space<hbm>> -> memref<128xi32, #tpu.memory_space<hbm>>
      %dma_start3A_1120 = tpu.memref_slice %arg3[%mul3A_2] : memref<4096xi32, #tpu.memory_space<hbm>> -> memref<128xi32, #tpu.memory_space<hbm>>
      tpu.enqueue_dma source(%dma_start3A_1120 : memref<128xi32, #tpu.memory_space<hbm>>) target(%arg5 : memref<128xi32, #tpu.memory_space<vmem>>) target_semaphore(%run_scoped3A : memref<!tpu.dma_semaphore, #tpu.memory_space<semaphore_mem>>)
      %dma_wait3A_1121 = tpu.memref_slice %arg3[%mul3A_2] : memref<4096xi32, #tpu.memory_space<hbm>> -> memref<128xi32, #tpu.memory_space<hbm>>
      %dma_wait3A_1122 = tpu.memref_slice %arg3[%mul3A_2] : memref<4096xi32, #tpu.memory_space<hbm>> -> memref<128xi32, #tpu.memory_space<hbm>>
      tpu.wait_dma2 semaphore(%run_scoped3A : memref<!tpu.dma_semaphore, #tpu.memory_space<semaphore_mem>>) src(%dma_wait3A_1122 : memref<128xi32, #tpu.memory_space<hbm>>) dst(%arg5 : memref<128xi32, #tpu.memory_space<vmem>>)
      tpu.yield
    }) : () -> ()
    %iota3A = tpu.iota {dimensions = array<i32: 0>} : vector<16xi32>
    %mul3A_3 = arith.constant 1024 : i32
    %mul3A_4 = arith.muli %add3A, %mul3A_3 : i32
    %get3A = arith.constant 0 : index
    %get3A_5 = tpu.vector_load %arg5[%get3A] {strides = array<i32>} : memref<128xi32, #tpu.memory_space<vmem>>, vector<16xi32>,
    %get3A_6 = vector.shape_cast %get3A_5 : vector<16xi32> to vector<16xi32>
    %mul3A_7 = arith.constant 65536 : i32
    %mul3A_8 = vector.broadcast %mul3A_7 : i32 to vector<16xi32>
    %mul3A_9 = arith.muli %get3A_6, %mul3A_8 : vector<16xi32>
    %add3A_10 = arith.constant 0 : i32
    %add3A_11 = arith.addi %mul3A_4, %add3A_10 : i32
    %add3A_12 = vector.broadcast %add3A_11 : i32 to vector<16xi32>
    %add3A_13 = arith.addi %mul3A_9, %add3A_12 : vector<16xi32>
    %add3A_14 = arith.addi %add3A_13, %iota3A : vector<16xi32>
    %swap3A = arith.constant 0 : index
    %swap3A_15 = tpu.vector_load %arg6[%swap3A] {strides = array<i32>} : memref<128xi32, #tpu.memory_space<vmem>>, vector<16xi32>,
    %swap3A_16 = vector.shape_cast %swap3A_15 : vector<16xi32> to vector<16xi32>
    %swap3A_17 = vector.shape_cast %add3A_14 : vector<16xi32> to vector<16xi32>
    tpu.vector_store %arg6[%swap3A], %swap3A_17 {strides = array<i32>} : memref<128xi32, #tpu.memory_space<vmem>>, vector<16xi32>,
    %get3A_18 = arith.constant 16 : index
    %get3A_19 = tpu.vector_load %arg5[%get3A_18] {strides = array<i32>} : memref<128xi32, #tpu.memory_space<vmem>>, vector<16xi32>,
    %get3A_20 = vector.shape_cast %get3A_19 : vector<16xi32> to vector<16xi32>
    %mul3A_21 = arith.constant 65536 : i32
    %mul3A_22 = vector.broadcast %mul3A_21 : i32 to vector<16xi32>
    %mul3A_23 = arith.muli %get3A_20, %mul3A_22 : vector<16xi32>
    %add3A_24 = arith.constant 16 : i32
    %add3A_25 = arith.addi %mul3A_4, %add3A_24 : i32
    %add3A_26 = vector.broadcast %add3A_25 : i32 to vector<16xi32>
    %add3A_27 = arith.addi %mul3A_23, %add3A_26 : vector<16xi32>
    %add3A_28 = arith.addi %add3A_27, %iota3A : vector<16xi32>
    %swap3A_29 = arith.constant 16 : index
    %swap3A_30 = tpu.vector_load %arg6[%swap3A_29] {strides = array<i32>} : memref<128xi32, #tpu.memory_space<vmem>>, vector<16xi32>,
    %swap3A_31 = vector.shape_cast %swap3A_30 : vector<16xi32> to vector<16xi32>
    %swap3A_32 = vector.shape_cast %add3A_28 : vector<16xi32> to vector<16xi32>
    tpu.vector_store %arg6[%swap3A_29], %swap3A_32 {strides = array<i32>} : memref<128xi32, #tpu.memory_space<vmem>>, vector<16xi32>,
    %get3A_33 = arith.constant 32 : index
    %get3A_34 = tpu.vector_load %arg5[%get3A_33] {strides = array<i32>} : memref<128xi32, #tpu.memory_space<vmem>>, vector<16xi32>,
    %get3A_35 = vector.shape_cast %get3A_34 : vector<16xi32> to vector<16xi32>
    %mul3A_36 = arith.constant 65536 : i32
    %mul3A_37 = vector.broadcast %mul3A_36 : i32 to vector<16xi32>
    %mul3A_38 = arith.muli %get3A_35, %mul3A_37 : vector<16xi32>
    %add3A_39 = arith.constant 32 : i32
    %add3A_40 = arith.addi %mul3A_4, %add3A_39 : i32
    %add3A_41 = vector.broadcast %add3A_40 : i32 to vector<16xi32>
    %add3A_42 = arith.addi %mul3A_38, %add3A_41 : vector<16xi32>
    %add3A_43 = arith.addi %add3A_42, %iota3A : vector<16xi32>
    %swap3A_44 = arith.constant 32 : index
    %swap3A_45 = tpu.vector_load %arg6[%swap3A_44] {strides = array<i32>} : memref<128xi32, #tpu.memory_space<vmem>>, vector<16xi32>,
    %swap3A_46 = vector.shape_cast %swap3A_45 : vector<16xi32> to vector<16xi32>
    %swap3A_47 = vector.shape_cast %add3A_43 : vector<16xi32> to vector<16xi32>
    tpu.vector_store %arg6[%swap3A_44], %swap3A_47 {strides = array<i32>} : memref<128xi32, #tpu.memory_space<vmem>>, vector<16xi32>,
    %get3A_48 = arith.constant 48 : index
    %get3A_49 = tpu.vector_load %arg5[%get3A_48] {strides = array<i32>} : memref<128xi32, #tpu.memory_space<vmem>>, vector<16xi32>,
    %get3A_50 = vector.shape_cast %get3A_49 : vector<16xi32> to vector<16xi32>
    %mul3A_51 = arith.constant 65536 : i32
    %mul3A_52 = vector.broadcast %mul3A_51 : i32 to vector<16xi32>
    %mul3A_53 = arith.muli %get3A_50, %mul3A_52 : vector<16xi32>
    %add3A_54 = arith.constant 48 : i32
    %add3A_55 = arith.addi %mul3A_4, %add3A_54 : i32
    %add3A_56 = vector.broadcast %add3A_55 : i32 to vector<16xi32>
    %add3A_57 = arith.addi %mul3A_53, %add3A_56 : vector<16xi32>
    %add3A_58 = arith.addi %add3A_57, %iota3A : vector<16xi32>
    %swap3A_59 = arith.constant 48 : index
    %swap3A_60 = tpu.vector_load %arg6[%swap3A_59] {strides = array<i32>} : memref<128xi32, #tpu.memory_space<vmem>>, vector<16xi32>,
    %swap3A_61 = vector.shape_cast %swap3A_60 : vector<16xi32> to vector<16xi32>
    %swap3A_62 = vector.shape_cast %add3A_58 : vector<16xi32> to vector<16xi32>
    tpu.vector_store %arg6[%swap3A_59], %swap3A_62 {strides = array<i32>} : memref<128xi32, #tpu.memory_space<vmem>>, vector<16xi32>,
    %get3A_63 = arith.constant 64 : index
    %get3A_64 = tpu.vector_load %arg5[%get3A_63] {strides = array<i32>} : memref<128xi32, #tpu.memory_space<vmem>>, vector<16xi32>,
    %get3A_65 = vector.shape_cast %get3A_64 : vector<16xi32> to vector<16xi32>
    %mul3A_66 = arith.constant 65536 : i32
    %mul3A_67 = vector.broadcast %mul3A_66 : i32 to vector<16xi32>
    %mul3A_68 = arith.muli %get3A_65, %mul3A_67 : vector<16xi32>
    %add3A_69 = arith.constant 64 : i32
    %add3A_70 = arith.addi %mul3A_4, %add3A_69 : i32
    %add3A_71 = vector.broadcast %add3A_70 : i32 to vector<16xi32>
    %add3A_72 = arith.addi %mul3A_68, %add3A_71 : vector<16xi32>
    %add3A_73 = arith.addi %add3A_72, %iota3A : vector<16xi32>
    %swap3A_74 = arith.constant 64 : index
    %swap3A_75 = tpu.vector_load %arg6[%swap3A_74] {strides = array<i32>} : memref<128xi32, #tpu.memory_space<vmem>>, vector<16xi32>,
    %swap3A_76 = vector.shape_cast %swap3A_75 : vector<16xi32> to vector<16xi32>
    %swap3A_77 = vector.shape_cast %add3A_73 : vector<16xi32> to vector<16xi32>
    tpu.vector_store %arg6[%swap3A_74], %swap3A_77 {strides = array<i32>} : memref<128xi32, #tpu.memory_space<vmem>>, vector<16xi32>,
    %get3A_78 = arith.constant 80 : index
    %get3A_79 = tpu.vector_load %arg5[%get3A_78] {strides = array<i32>} : memref<128xi32, #tpu.memory_space<vmem>>, vector<16xi32>,
    %get3A_80 = vector.shape_cast %get3A_79 : vector<16xi32> to vector<16xi32>
    %mul3A_81 = arith.constant 65536 : i32
    %mul3A_82 = vector.broadcast %mul3A_81 : i32 to vector<16xi32>
    %mul3A_83 = arith.muli %get3A_80, %mul3A_82 : vector<16xi32>
    %add3A_84 = arith.constant 80 : i32
    %add3A_85 = arith.addi %mul3A_4, %add3A_84 : i32
    %add3A_86 = vector.broadcast %add3A_85 : i32 to vector<16xi32>
    %add3A_87 = arith.addi %mul3A_83, %add3A_86 : vector<16xi32>
    %add3A_88 = arith.addi %add3A_87, %iota3A : vector<16xi32>
    %swap3A_89 = arith.constant 80 : index
    %swap3A_90 = tpu.vector_load %arg6[%swap3A_89] {strides = array<i32>} : memref<128xi32, #tpu.memory_space<vmem>>, vector<16xi32>,
    %swap3A_91 = vector.shape_cast %swap3A_90 : vector<16xi32> to vector<16xi32>
    %swap3A_92 = vector.shape_cast %add3A_88 : vector<16xi32> to vector<16xi32>
    tpu.vector_store %arg6[%swap3A_89], %swap3A_92 {strides = array<i32>} : memref<128xi32, #tpu.memory_space<vmem>>, vector<16xi32>,
    %get3A_93 = arith.constant 96 : index
    %get3A_94 = tpu.vector_load %arg5[%get3A_93] {strides = array<i32>} : memref<128xi32, #tpu.memory_space<vmem>>, vector<16xi32>,
    %get3A_95 = vector.shape_cast %get3A_94 : vector<16xi32> to vector<16xi32>
    %mul3A_96 = arith.constant 65536 : i32
    %mul3A_97 = vector.broadcast %mul3A_96 : i32 to vector<16xi32>
    %mul3A_98 = arith.muli %get3A_95, %mul3A_97 : vector<16xi32>
    %add3A_99 = arith.constant 96 : i32
    %add3A_100 = arith.addi %mul3A_4, %add3A_99 : i32
    %add3A_101 = vector.broadcast %add3A_100 : i32 to vector<16xi32>
    %add3A_102 = arith.addi %mul3A_98, %add3A_101 : vector<16xi32>
    %add3A_103 = arith.addi %add3A_102, %iota3A : vector<16xi32>
    %swap3A_104 = arith.constant 96 : index
    %swap3A_105 = tpu.vector_load %arg6[%swap3A_104] {strides = array<i32>} : memref<128xi32, #tpu.memory_space<vmem>>, vector<16xi32>,
    %swap3A_106 = vector.shape_cast %swap3A_105 : vector<16xi32> to vector<16xi32>
    %swap3A_107 = vector.shape_cast %add3A_103 : vector<16xi32> to vector<16xi32>
    tpu.vector_store %arg6[%swap3A_104], %swap3A_107 {strides = array<i32>} : memref<128xi32, #tpu.memory_space<vmem>>, vector<16xi32>,
    %get3A_108 = arith.constant 112 : index
    %get3A_109 = tpu.vector_load %arg5[%get3A_108] {strides = array<i32>} : memref<128xi32, #tpu.memory_space<vmem>>, vector<16xi32>,
    %get3A_110 = vector.shape_cast %get3A_109 : vector<16xi32> to vector<16xi32>
    %mul3A_111 = arith.constant 65536 : i32
    %mul3A_112 = vector.broadcast %mul3A_111 : i32 to vector<16xi32>
    %mul3A_113 = arith.muli %get3A_110, %mul3A_112 : vector<16xi32>
    %add3A_114 = arith.constant 112 : i32
    %add3A_115 = arith.addi %mul3A_4, %add3A_114 : i32
    %add3A_116 = vector.broadcast %add3A_115 : i32 to vector<16xi32>
    %add3A_117 = arith.addi %mul3A_113, %add3A_116 : vector<16xi32>
    %add3A_118 = arith.addi %add3A_117, %iota3A : vector<16xi32>
    %swap3A_119 = arith.constant 112 : index
    %swap3A_120 = tpu.vector_load %arg6[%swap3A_119] {strides = array<i32>} : memref<128xi32, #tpu.memory_space<vmem>>, vector<16xi32>,
    %swap3A_121 = vector.shape_cast %swap3A_120 : vector<16xi32> to vector<16xi32>
    %swap3A_122 = vector.shape_cast %add3A_118 : vector<16xi32> to vector<16xi32>
    tpu.vector_store %arg6[%swap3A_119], %swap3A_122 {strides = array<i32>} : memref<128xi32, #tpu.memory_space<vmem>>, vector<16xi32>,
    %get3A_123 = arith.constant 0 : index
    %get3A_124 = tpu.vector_load %arg6[%get3A_123] {strides = array<i32>} : memref<128xi32, #tpu.memory_space<vmem>>, vector<16xi32>,
    %get3A_125 = vector.shape_cast %get3A_124 : vector<16xi32> to vector<16xi32>
    %add3A_126 = arith.constant 0 : i32
    %add3A_127 = vector.broadcast %add3A_126 : i32 to vector<16xi32>
    %add3A_128 = arith.addi %get3A_125, %add3A_127 : vector<16xi32>
    %swap3A_129 = arith.constant 0 : index
    %swap3A_130 = tpu.vector_load %arg7[%swap3A_129] {strides = array<i32>} : memref<2048xi32, #tpu.memory_space<vmem>>, vector<16xi32>,
    %swap3A_131 = vector.shape_cast %swap3A_130 : vector<16xi32> to vector<16xi32>
    %swap3A_132 = vector.shape_cast %add3A_128 : vector<16xi32> to vector<16xi32>
    tpu.vector_store %arg7[%swap3A_129], %swap3A_132 {strides = array<i32>} : memref<2048xi32, #tpu.memory_space<vmem>>, vector<16xi32>,
    %add3A_133 = arith.constant 128 : i32
    %add3A_134 = vector.broadcast %add3A_133 : i32 to vector<16xi32>
    %add3A_135 = arith.addi %get3A_125, %add3A_134 : vector<16xi32>
    %swap3A_136 = arith.constant 128 : index
    %swap3A_137 = tpu.vector_load %arg7[%swap3A_136] {strides = array<i32>} : memref<2048xi32, #tpu.memory_space<vmem>>, vector<16xi32>,
    %swap3A_138 = vector.shape_cast %swap3A_137 : vector<16xi32> to vector<16xi32>
    %swap3A_139 = vector.shape_cast %add3A_135 : vector<16xi32> to vector<16xi32>
    tpu.vector_store %arg7[%swap3A_136], %swap3A_139 {strides = array<i32>} : memref<2048xi32, #tpu.memory_space<vmem>>, vector<16xi32>,
    %add3A_140 = arith.constant 256 : i32
    %add3A_141 = vector.broadcast %add3A_140 : i32 to vector<16xi32>
    %add3A_142 = arith.addi %get3A_125, %add3A_141 : vector<16xi32>
    %swap3A_143 = arith.constant 256 : index
    %swap3A_144 = tpu.vector_load %arg7[%swap3A_143] {strides = array<i32>} : memref<2048xi32, #tpu.memory_space<vmem>>, vector<16xi32>,
    %swap3A_145 = vector.shape_cast %swap3A_144 : vector<16xi32> to vector<16xi32>
    %swap3A_146 = vector.shape_cast %add3A_142 : vector<16xi32> to vector<16xi32>
    tpu.vector_store %arg7[%swap3A_143], %swap3A_146 {strides = array<i32>} : memref<2048xi32, #tpu.memory_space<vmem>>, vector<16xi32>,
    %add3A_147 = arith.constant 384 : i32
    %add3A_148 = vector.broadcast %add3A_147 : i32 to vector<16xi32>
    %add3A_149 = arith.addi %get3A_125, %add3A_148 : vector<16xi32>
    %swap3A_150 = arith.constant 384 : index
    %swap3A_151 = tpu.vector_load %arg7[%swap3A_150] {strides = array<i32>} : memref<2048xi32, #tpu.memory_space<vmem>>, vector<16xi32>,
    %swap3A_152 = vector.shape_cast %swap3A_151 : vector<16xi32> to vector<16xi32>
    %swap3A_153 = vector.shape_cast %add3A_149 : vector<16xi32> to vector<16xi32>
    tpu.vector_store %arg7[%swap3A_150], %swap3A_153 {strides = array<i32>} : memref<2048xi32, #tpu.memory_space<vmem>>, vector<16xi32>,
    %add3A_154 = arith.constant 512 : i32
    %add3A_155 = vector.broadcast %add3A_154 : i32 to vector<16xi32>
    %add3A_156 = arith.addi %get3A_125, %add3A_155 : vector<16xi32>
    %swap3A_157 = arith.constant 512 : index
    %swap3A_158 = tpu.vector_load %arg7[%swap3A_157] {strides = array<i32>} : memref<2048xi32, #tpu.memory_space<vmem>>, vector<16xi32>,
    %swap3A_159 = vector.shape_cast %swap3A_158 : vector<16xi32> to vector<16xi32>
    %swap3A_160 = vector.shape_cast %add3A_156 : vector<16xi32> to vector<16xi32>
    tpu.vector_store %arg7[%swap3A_157], %swap3A_160 {strides = array<i32>} : memref<2048xi32, #tpu.memory_space<vmem>>, vector<16xi32>,
    %add3A_161 = arith.constant 640 : i32
    %add3A_162 = vector.broadcast %add3A_161 : i32 to vector<16xi32>
    %add3A_163 = arith.addi %get3A_125, %add3A_162 : vector<16xi32>
    %swap3A_164 = arith.constant 640 : index
    %swap3A_165 = tpu.vector_load %arg7[%swap3A_164] {strides = array<i32>} : memref<2048xi32, #tpu.memory_space<vmem>>, vector<16xi32>,
    %swap3A_166 = vector.shape_cast %swap3A_165 : vector<16xi32> to vector<16xi32>
    %swap3A_167 = vector.shape_cast %add3A_163 : vector<16xi32> to vector<16xi32>
    tpu.vector_store %arg7[%swap3A_164], %swap3A_167 {strides = array<i32>} : memref<2048xi32, #tpu.memory_space<vmem>>, vector<16xi32>,
    %add3A_168 = arith.constant 768 : i32
    %add3A_169 = vector.broadcast %add3A_168 : i32 to vector<16xi32>
    %add3A_170 = arith.addi %get3A_125, %add3A_169 : vector<16xi32>
    %swap3A_171 = arith.constant 768 : index
    %swap3A_172 = tpu.vector_load %arg7[%swap3A_171] {strides = array<i32>} : memref<2048xi32, #tpu.memory_space<vmem>>, vector<16xi32>,
    %swap3A_173 = vector.shape_cast %swap3A_172 : vector<16xi32> to vector<16xi32>
    %swap3A_174 = vector.shape_cast %add3A_170 : vector<16xi32> to vector<16xi32>
    tpu.vector_store %arg7[%swap3A_171], %swap3A_174 {strides = array<i32>} : memref<2048xi32, #tpu.memory_space<vmem>>, vector<16xi32>,
    %add3A_175 = arith.constant 896 : i32
    %add3A_176 = vector.broadcast %add3A_175 : i32 to vector<16xi32>
    %add3A_177 = arith.addi %get3A_125, %add3A_176 : vector<16xi32>
    %swap3A_178 = arith.constant 896 : index
    %swap3A_179 = tpu.vector_load %arg7[%swap3A_178] {strides = array<i32>} : memref<2048xi32, #tpu.memory_space<vmem>>, vector<16xi32>,
    %swap3A_180 = vector.shape_cast %swap3A_179 : vector<16xi32> to vector<16xi32>
    %swap3A_181 = vector.shape_cast %add3A_177 : vector<16xi32> to vector<16xi32>
    tpu.vector_store %arg7[%swap3A_178], %swap3A_181 {strides = array<i32>} : memref<2048xi32, #tpu.memory_space<vmem>>, vector<16xi32>,
    %get3A_182 = arith.constant 16 : index
    %get3A_183 = tpu.vector_load %arg6[%get3A_182] {strides = array<i32>} : memref<128xi32, #tpu.memory_space<vmem>>, vector<16xi32>,
    %get3A_184 = vector.shape_cast %get3A_183 : vector<16xi32> to vector<16xi32>
    %add3A_185 = arith.constant 0 : i32
    %add3A_186 = vector.broadcast %add3A_185 : i32 to vector<16xi32>
    %add3A_187 = arith.addi %get3A_184, %add3A_186 : vector<16xi32>
    %swap3A_188 = arith.constant 16 : index
    %swap3A_189 = tpu.vector_load %arg7[%swap3A_188] {strides = array<i32>} : memref<2048xi32, #tpu.memory_space<vmem>>, vector<16xi32>,
    %swap3A_190 = vector.shape_cast %swap3A_189 : vector<16xi32> to vector<16xi32>
    %swap3A_191 = vector.shape_cast %add3A_187 : vector<16xi32> to vector<16xi32>
    tpu.vector_store %arg7[%swap3A_188], %swap3A_191 {strides = array<i32>} : memref<2048xi32, #tpu.memory_space<vmem>>, vector<16xi32>,
    %add3A_192 = arith.constant 128 : i32
    %add3A_193 = vector.broadcast %add3A_192 : i32 to vector<16xi32>
    %add3A_194 = arith.addi %get3A_184, %add3A_193 : vector<16xi32>
    %swap3A_195 = arith.constant 144 : index
    %swap3A_196 = tpu.vector_load %arg7[%swap3A_195] {strides = array<i32>} : memref<2048xi32, #tpu.memory_space<vmem>>, vector<16xi32>,
    %swap3A_197 = vector.shape_cast %swap3A_196 : vector<16xi32> to vector<16xi32>
    %swap3A_198 = vector.shape_cast %add3A_194 : vector<16xi32> to vector<16xi32>
    tpu.vector_store %arg7[%swap3A_195], %swap3A_198 {strides = array<i32>} : memref<2048xi32, #tpu.memory_space<vmem>>, vector<16xi32>,
    %add3A_199 = arith.constant 256 : i32
    %add3A_200 = vector.broadcast %add3A_199 : i32 to vector<16xi32>
    %add3A_201 = arith.addi %get3A_184, %add3A_200 : vector<16xi32>
    %swap3A_202 = arith.constant 272 : index
    %swap3A_203 = tpu.vector_load %arg7[%swap3A_202] {strides = array<i32>} : memref<2048xi32, #tpu.memory_space<vmem>>, vector<16xi32>,
    %swap3A_204 = vector.shape_cast %swap3A_203 : vector<16xi32> to vector<16xi32>
    %swap3A_205 = vector.shape_cast %add3A_201 : vector<16xi32> to vector<16xi32>
    tpu.vector_store %arg7[%swap3A_202], %swap3A_205 {strides = array<i32>} : memref<2048xi32, #tpu.memory_space<vmem>>, vector<16xi32>,
    %add3A_206 = arith.constant 384 : i32
    %add3A_207 = vector.broadcast %add3A_206 : i32 to vector<16xi32>
    %add3A_208 = arith.addi %get3A_184, %add3A_207 : vector<16xi32>
    %swap3A_209 = arith.constant 400 : index
    %swap3A_210 = tpu.vector_load %arg7[%swap3A_209] {strides = array<i32>} : memref<2048xi32, #tpu.memory_space<vmem>>, vector<16xi32>,
    %swap3A_211 = vector.shape_cast %swap3A_210 : vector<16xi32> to vector<16xi32>
    %swap3A_212 = vector.shape_cast %add3A_208 : vector<16xi32> to vector<16xi32>
    tpu.vector_store %arg7[%swap3A_209], %swap3A_212 {strides = array<i32>} : memref<2048xi32, #tpu.memory_space<vmem>>, vector<16xi32>,
    %add3A_213 = arith.constant 512 : i32
    %add3A_214 = vector.broadcast %add3A_213 : i32 to vector<16xi32>
    %add3A_215 = arith.addi %get3A_184, %add3A_214 : vector<16xi32>
    %swap3A_216 = arith.constant 528 : index
    %swap3A_217 = tpu.vector_load %arg7[%swap3A_216] {strides = array<i32>} : memref<2048xi32, #tpu.memory_space<vmem>>, vector<16xi32>,
    %swap3A_218 = vector.shape_cast %swap3A_217 : vector<16xi32> to vector<16xi32>
    %swap3A_219 = vector.shape_cast %add3A_215 : vector<16xi32> to vector<16xi32>
    tpu.vector_store %arg7[%swap3A_216], %swap3A_219 {strides = array<i32>} : memref<2048xi32, #tpu.memory_space<vmem>>, vector<16xi32>,
    %add3A_220 = arith.constant 640 : i32
    %add3A_221 = vector.broadcast %add3A_220 : i32 to vector<16xi32>
    %add3A_222 = arith.addi %get3A_184, %add3A_221 : vector<16xi32>
    %swap3A_223 = arith.constant 656 : index
    %swap3A_224 = tpu.vector_load %arg7[%swap3A_223] {strides = array<i32>} : memref<2048xi32, #tpu.memory_space<vmem>>, vector<16xi32>,
    %swap3A_225 = vector.shape_cast %swap3A_224 : vector<16xi32> to vector<16xi32>
    %swap3A_226 = vector.shape_cast %add3A_222 : vector<16xi32> to vector<16xi32>
    tpu.vector_store %arg7[%swap3A_223], %swap3A_226 {strides = array<i32>} : memref<2048xi32, #tpu.memory_space<vmem>>, vector<16xi32>,
    %add3A_227 = arith.constant 768 : i32
    %add3A_228 = vector.broadcast %add3A_227 : i32 to vector<16xi32>
    %add3A_229 = arith.addi %get3A_184, %add3A_228 : vector<16xi32>
    %swap3A_230 = arith.constant 784 : index
    %swap3A_231 = tpu.vector_load %arg7[%swap3A_230] {strides = array<i32>} : memref<2048xi32, #tpu.memory_space<vmem>>, vector<16xi32>,
    %swap3A_232 = vector.shape_cast %swap3A_231 : vector<16xi32> to vector<16xi32>
    %swap3A_233 = vector.shape_cast %add3A_229 : vector<16xi32> to vector<16xi32>
    tpu.vector_store %arg7[%swap3A_230], %swap3A_233 {strides = array<i32>} : memref<2048xi32, #tpu.memory_space<vmem>>, vector<16xi32>,
    %add3A_234 = arith.constant 896 : i32
    %add3A_235 = vector.broadcast %add3A_234 : i32 to vector<16xi32>
    %add3A_236 = arith.addi %get3A_184, %add3A_235 : vector<16xi32>
    %swap3A_237 = arith.constant 912 : index
    %swap3A_238 = tpu.vector_load %arg7[%swap3A_237] {strides = array<i32>} : memref<2048xi32, #tpu.memory_space<vmem>>, vector<16xi32>,
    %swap3A_239 = vector.shape_cast %swap3A_238 : vector<16xi32> to vector<16xi32>
    %swap3A_240 = vector.shape_cast %add3A_236 : vector<16xi32> to vector<16xi32>
    tpu.vector_store %arg7[%swap3A_237], %swap3A_240 {strides = array<i32>} : memref<2048xi32, #tpu.memory_space<vmem>>, vector<16xi32>,
    %get3A_241 = arith.constant 32 : index
    %get3A_242 = tpu.vector_load %arg6[%get3A_241] {strides = array<i32>} : memref<128xi32, #tpu.memory_space<vmem>>, vector<16xi32>,
    %get3A_243 = vector.shape_cast %get3A_242 : vector<16xi32> to vector<16xi32>
    %add3A_244 = arith.constant 0 : i32
    %add3A_245 = vector.broadcast %add3A_244 : i32 to vector<16xi32>
    %add3A_246 = arith.addi %get3A_243, %add3A_245 : vector<16xi32>
    %swap3A_247 = arith.constant 32 : index
    %swap3A_248 = tpu.vector_load %arg7[%swap3A_247] {strides = array<i32>} : memref<2048xi32, #tpu.memory_space<vmem>>, vector<16xi32>,
    %swap3A_249 = vector.shape_cast %swap3A_248 : vector<16xi32> to vector<16xi32>
    %swap3A_250 = vector.shape_cast %add3A_246 : vector<16xi32> to vector<16xi32>
    tpu.vector_store %arg7[%swap3A_247], %swap3A_250 {strides = array<i32>} : memref<2048xi32, #tpu.memory_space<vmem>>, vector<16xi32>,
    %add3A_251 = arith.constant 128 : i32
    %add3A_252 = vector.broadcast %add3A_251 : i32 to vector<16xi32>
    %add3A_253 = arith.addi %get3A_243, %add3A_252 : vector<16xi32>
    %swap3A_254 = arith.constant 160 : index
    %swap3A_255 = tpu.vector_load %arg7[%swap3A_254] {strides = array<i32>} : memref<2048xi32, #tpu.memory_space<vmem>>, vector<16xi32>,
    %swap3A_256 = vector.shape_cast %swap3A_255 : vector<16xi32> to vector<16xi32>
    %swap3A_257 = vector.shape_cast %add3A_253 : vector<16xi32> to vector<16xi32>
    tpu.vector_store %arg7[%swap3A_254], %swap3A_257 {strides = array<i32>} : memref<2048xi32, #tpu.memory_space<vmem>>, vector<16xi32>,
    %add3A_258 = arith.constant 256 : i32
    %add3A_259 = vector.broadcast %add3A_258 : i32 to vector<16xi32>
    %add3A_260 = arith.addi %get3A_243, %add3A_259 : vector<16xi32>
    %swap3A_261 = arith.constant 288 : index
    %swap3A_262 = tpu.vector_load %arg7[%swap3A_261] {strides = array<i32>} : memref<2048xi32, #tpu.memory_space<vmem>>, vector<16xi32>,
    %swap3A_263 = vector.shape_cast %swap3A_262 : vector<16xi32> to vector<16xi32>
    %swap3A_264 = vector.shape_cast %add3A_260 : vector<16xi32> to vector<16xi32>
    tpu.vector_store %arg7[%swap3A_261], %swap3A_264 {strides = array<i32>} : memref<2048xi32, #tpu.memory_space<vmem>>, vector<16xi32>,
    %add3A_265 = arith.constant 384 : i32
    %add3A_266 = vector.broadcast %add3A_265 : i32 to vector<16xi32>
    %add3A_267 = arith.addi %get3A_243, %add3A_266 : vector<16xi32>
    %swap3A_268 = arith.constant 416 : index
    %swap3A_269 = tpu.vector_load %arg7[%swap3A_268] {strides = array<i32>} : memref<2048xi32, #tpu.memory_space<vmem>>, vector<16xi32>,
    %swap3A_270 = vector.shape_cast %swap3A_269 : vector<16xi32> to vector<16xi32>
    %swap3A_271 = vector.shape_cast %add3A_267 : vector<16xi32> to vector<16xi32>
    tpu.vector_store %arg7[%swap3A_268], %swap3A_271 {strides = array<i32>} : memref<2048xi32, #tpu.memory_space<vmem>>, vector<16xi32>,
    %add3A_272 = arith.constant 512 : i32
    %add3A_273 = vector.broadcast %add3A_272 : i32 to vector<16xi32>
    %add3A_274 = arith.addi %get3A_243, %add3A_273 : vector<16xi32>
    %swap3A_275 = arith.constant 544 : index
    %swap3A_276 = tpu.vector_load %arg7[%swap3A_275] {strides = array<i32>} : memref<2048xi32, #tpu.memory_space<vmem>>, vector<16xi32>,
    %swap3A_277 = vector.shape_cast %swap3A_276 : vector<16xi32> to vector<16xi32>
    %swap3A_278 = vector.shape_cast %add3A_274 : vector<16xi32> to vector<16xi32>
    tpu.vector_store %arg7[%swap3A_275], %swap3A_278 {strides = array<i32>} : memref<2048xi32, #tpu.memory_space<vmem>>, vector<16xi32>,
    %add3A_279 = arith.constant 640 : i32
    %add3A_280 = vector.broadcast %add3A_279 : i32 to vector<16xi32>
    %add3A_281 = arith.addi %get3A_243, %add3A_280 : vector<16xi32>
    %swap3A_282 = arith.constant 672 : index
    %swap3A_283 = tpu.vector_load %arg7[%swap3A_282] {strides = array<i32>} : memref<2048xi32, #tpu.memory_space<vmem>>, vector<16xi32>,
    %swap3A_284 = vector.shape_cast %swap3A_283 : vector<16xi32> to vector<16xi32>
    %swap3A_285 = vector.shape_cast %add3A_281 : vector<16xi32> to vector<16xi32>
    tpu.vector_store %arg7[%swap3A_282], %swap3A_285 {strides = array<i32>} : memref<2048xi32, #tpu.memory_space<vmem>>, vector<16xi32>,
    %add3A_286 = arith.constant 768 : i32
    %add3A_287 = vector.broadcast %add3A_286 : i32 to vector<16xi32>
    %add3A_288 = arith.addi %get3A_243, %add3A_287 : vector<16xi32>
    %swap3A_289 = arith.constant 800 : index
    %swap3A_290 = tpu.vector_load %arg7[%swap3A_289] {strides = array<i32>} : memref<2048xi32, #tpu.memory_space<vmem>>, vector<16xi32>,
    %swap3A_291 = vector.shape_cast %swap3A_290 : vector<16xi32> to vector<16xi32>
    %swap3A_292 = vector.shape_cast %add3A_288 : vector<16xi32> to vector<16xi32>
    tpu.vector_store %arg7[%swap3A_289], %swap3A_292 {strides = array<i32>} : memref<2048xi32, #tpu.memory_space<vmem>>, vector<16xi32>,
    %add3A_293 = arith.constant 896 : i32
    %add3A_294 = vector.broadcast %add3A_293 : i32 to vector<16xi32>
    %add3A_295 = arith.addi %get3A_243, %add3A_294 : vector<16xi32>
    %swap3A_296 = arith.constant 928 : index
    %swap3A_297 = tpu.vector_load %arg7[%swap3A_296] {strides = array<i32>} : memref<2048xi32, #tpu.memory_space<vmem>>, vector<16xi32>,
    %swap3A_298 = vector.shape_cast %swap3A_297 : vector<16xi32> to vector<16xi32>
    %swap3A_299 = vector.shape_cast %add3A_295 : vector<16xi32> to vector<16xi32>
    tpu.vector_store %arg7[%swap3A_296], %swap3A_299 {strides = array<i32>} : memref<2048xi32, #tpu.memory_space<vmem>>, vector<16xi32>,
    %get3A_300 = arith.constant 48 : index
    %get3A_301 = tpu.vector_load %arg6[%get3A_300] {strides = array<i32>} : memref<128xi32, #tpu.memory_space<vmem>>, vector<16xi32>,
    %get3A_302 = vector.shape_cast %get3A_301 : vector<16xi32> to vector<16xi32>
    %add3A_303 = arith.constant 0 : i32
    %add3A_304 = vector.broadcast %add3A_303 : i32 to vector<16xi32>
    %add3A_305 = arith.addi %get3A_302, %add3A_304 : vector<16xi32>
    %swap3A_306 = arith.constant 48 : index
    %swap3A_307 = tpu.vector_load %arg7[%swap3A_306] {strides = array<i32>} : memref<2048xi32, #tpu.memory_space<vmem>>, vector<16xi32>,
    %swap3A_308 = vector.shape_cast %swap3A_307 : vector<16xi32> to vector<16xi32>
    %swap3A_309 = vector.shape_cast %add3A_305 : vector<16xi32> to vector<16xi32>
    tpu.vector_store %arg7[%swap3A_306], %swap3A_309 {strides = array<i32>} : memref<2048xi32, #tpu.memory_space<vmem>>, vector<16xi32>,
    %add3A_310 = arith.constant 128 : i32
    %add3A_311 = vector.broadcast %add3A_310 : i32 to vector<16xi32>
    %add3A_312 = arith.addi %get3A_302, %add3A_311 : vector<16xi32>
    %swap3A_313 = arith.constant 176 : index
    %swap3A_314 = tpu.vector_load %arg7[%swap3A_313] {strides = array<i32>} : memref<2048xi32, #tpu.memory_space<vmem>>, vector<16xi32>,
    %swap3A_315 = vector.shape_cast %swap3A_314 : vector<16xi32> to vector<16xi32>
    %swap3A_316 = vector.shape_cast %add3A_312 : vector<16xi32> to vector<16xi32>
    tpu.vector_store %arg7[%swap3A_313], %swap3A_316 {strides = array<i32>} : memref<2048xi32, #tpu.memory_space<vmem>>, vector<16xi32>,
    %add3A_317 = arith.constant 256 : i32
    %add3A_318 = vector.broadcast %add3A_317 : i32 to vector<16xi32>
    %add3A_319 = arith.addi %get3A_302, %add3A_318 : vector<16xi32>
    %swap3A_320 = arith.constant 304 : index
    %swap3A_321 = tpu.vector_load %arg7[%swap3A_320] {strides = array<i32>} : memref<2048xi32, #tpu.memory_space<vmem>>, vector<16xi32>,
    %swap3A_322 = vector.shape_cast %swap3A_321 : vector<16xi32> to vector<16xi32>
    %swap3A_323 = vector.shape_cast %add3A_319 : vector<16xi32> to vector<16xi32>
    tpu.vector_store %arg7[%swap3A_320], %swap3A_323 {strides = array<i32>} : memref<2048xi32, #tpu.memory_space<vmem>>, vector<16xi32>,
    %add3A_324 = arith.constant 384 : i32
    %add3A_325 = vector.broadcast %add3A_324 : i32 to vector<16xi32>
    %add3A_326 = arith.addi %get3A_302, %add3A_325 : vector<16xi32>
    %swap3A_327 = arith.constant 432 : index
    %swap3A_328 = tpu.vector_load %arg7[%swap3A_327] {strides = array<i32>} : memref<2048xi32, #tpu.memory_space<vmem>>, vector<16xi32>,
    %swap3A_329 = vector.shape_cast %swap3A_328 : vector<16xi32> to vector<16xi32>
    %swap3A_330 = vector.shape_cast %add3A_326 : vector<16xi32> to vector<16xi32>
    tpu.vector_store %arg7[%swap3A_327], %swap3A_330 {strides = array<i32>} : memref<2048xi32, #tpu.memory_space<vmem>>, vector<16xi32>,
    %add3A_331 = arith.constant 512 : i32
    %add3A_332 = vector.broadcast %add3A_331 : i32 to vector<16xi32>
    %add3A_333 = arith.addi %get3A_302, %add3A_332 : vector<16xi32>
    %swap3A_334 = arith.constant 560 : index
    %swap3A_335 = tpu.vector_load %arg7[%swap3A_334] {strides = array<i32>} : memref<2048xi32, #tpu.memory_space<vmem>>, vector<16xi32>,
    %swap3A_336 = vector.shape_cast %swap3A_335 : vector<16xi32> to vector<16xi32>
    %swap3A_337 = vector.shape_cast %add3A_333 : vector<16xi32> to vector<16xi32>
    tpu.vector_store %arg7[%swap3A_334], %swap3A_337 {strides = array<i32>} : memref<2048xi32, #tpu.memory_space<vmem>>, vector<16xi32>,
    %add3A_338 = arith.constant 640 : i32
    %add3A_339 = vector.broadcast %add3A_338 : i32 to vector<16xi32>
    %add3A_340 = arith.addi %get3A_302, %add3A_339 : vector<16xi32>
    %swap3A_341 = arith.constant 688 : index
    %swap3A_342 = tpu.vector_load %arg7[%swap3A_341] {strides = array<i32>} : memref<2048xi32, #tpu.memory_space<vmem>>, vector<16xi32>,
    %swap3A_343 = vector.shape_cast %swap3A_342 : vector<16xi32> to vector<16xi32>
    %swap3A_344 = vector.shape_cast %add3A_340 : vector<16xi32> to vector<16xi32>
    tpu.vector_store %arg7[%swap3A_341], %swap3A_344 {strides = array<i32>} : memref<2048xi32, #tpu.memory_space<vmem>>, vector<16xi32>,
    %add3A_345 = arith.constant 768 : i32
    %add3A_346 = vector.broadcast %add3A_345 : i32 to vector<16xi32>
    %add3A_347 = arith.addi %get3A_302, %add3A_346 : vector<16xi32>
    %swap3A_348 = arith.constant 816 : index
    %swap3A_349 = tpu.vector_load %arg7[%swap3A_348] {strides = array<i32>} : memref<2048xi32, #tpu.memory_space<vmem>>, vector<16xi32>,
    %swap3A_350 = vector.shape_cast %swap3A_349 : vector<16xi32> to vector<16xi32>
    %swap3A_351 = vector.shape_cast %add3A_347 : vector<16xi32> to vector<16xi32>
    tpu.vector_store %arg7[%swap3A_348], %swap3A_351 {strides = array<i32>} : memref<2048xi32, #tpu.memory_space<vmem>>, vector<16xi32>,
    %add3A_352 = arith.constant 896 : i32
    %add3A_353 = vector.broadcast %add3A_352 : i32 to vector<16xi32>
    %add3A_354 = arith.addi %get3A_302, %add3A_353 : vector<16xi32>
    %swap3A_355 = arith.constant 944 : index
    %swap3A_356 = tpu.vector_load %arg7[%swap3A_355] {strides = array<i32>} : memref<2048xi32, #tpu.memory_space<vmem>>, vector<16xi32>,
    %swap3A_357 = vector.shape_cast %swap3A_356 : vector<16xi32> to vector<16xi32>
    %swap3A_358 = vector.shape_cast %add3A_354 : vector<16xi32> to vector<16xi32>
    tpu.vector_store %arg7[%swap3A_355], %swap3A_358 {strides = array<i32>} : memref<2048xi32, #tpu.memory_space<vmem>>, vector<16xi32>,
    %get3A_359 = arith.constant 64 : index
    %get3A_360 = tpu.vector_load %arg6[%get3A_359] {strides = array<i32>} : memref<128xi32, #tpu.memory_space<vmem>>, vector<16xi32>,
    %get3A_361 = vector.shape_cast %get3A_360 : vector<16xi32> to vector<16xi32>
    %add3A_362 = arith.constant 0 : i32
    %add3A_363 = vector.broadcast %add3A_362 : i32 to vector<16xi32>
    %add3A_364 = arith.addi %get3A_361, %add3A_363 : vector<16xi32>
    %swap3A_365 = arith.constant 64 : index
    %swap3A_366 = tpu.vector_load %arg7[%swap3A_365] {strides = array<i32>} : memref<2048xi32, #tpu.memory_space<vmem>>, vector<16xi32>,
    %swap3A_367 = vector.shape_cast %swap3A_366 : vector<16xi32> to vector<16xi32>
    %swap3A_368 = vector.shape_cast %add3A_364 : vector<16xi32> to vector<16xi32>
    tpu.vector_store %arg7[%swap3A_365], %swap3A_368 {strides = array<i32>} : memref<2048xi32, #tpu.memory_space<vmem>>, vector<16xi32>,
    %add3A_369 = arith.constant 128 : i32
    %add3A_370 = vector.broadcast %add3A_369 : i32 to vector<16xi32>
    %add3A_371 = arith.addi %get3A_361, %add3A_370 : vector<16xi32>
    %swap3A_372 = arith.constant 192 : index
    %swap3A_373 = tpu.vector_load %arg7[%swap3A_372] {strides = array<i32>} : memref<2048xi32, #tpu.memory_space<vmem>>, vector<16xi32>,
    %swap3A_374 = vector.shape_cast %swap3A_373 : vector<16xi32> to vector<16xi32>
    %swap3A_375 = vector.shape_cast %add3A_371 : vector<16xi32> to vector<16xi32>
    tpu.vector_store %arg7[%swap3A_372], %swap3A_375 {strides = array<i32>} : memref<2048xi32, #tpu.memory_space<vmem>>, vector<16xi32>,
    %add3A_376 = arith.constant 256 : i32
    %add3A_377 = vector.broadcast %add3A_376 : i32 to vector<16xi32>
    %add3A_378 = arith.addi %get3A_361, %add3A_377 : vector<16xi32>
    %swap3A_379 = arith.constant 320 : index
    %swap3A_380 = tpu.vector_load %arg7[%swap3A_379] {strides = array<i32>} : memref<2048xi32, #tpu.memory_space<vmem>>, vector<16xi32>,
    %swap3A_381 = vector.shape_cast %swap3A_380 : vector<16xi32> to vector<16xi32>
    %swap3A_382 = vector.shape_cast %add3A_378 : vector<16xi32> to vector<16xi32>
    tpu.vector_store %arg7[%swap3A_379], %swap3A_382 {strides = array<i32>} : memref<2048xi32, #tpu.memory_space<vmem>>, vector<16xi32>,
    %add3A_383 = arith.constant 384 : i32
    %add3A_384 = vector.broadcast %add3A_383 : i32 to vector<16xi32>
    %add3A_385 = arith.addi %get3A_361, %add3A_384 : vector<16xi32>
    %swap3A_386 = arith.constant 448 : index
    %swap3A_387 = tpu.vector_load %arg7[%swap3A_386] {strides = array<i32>} : memref<2048xi32, #tpu.memory_space<vmem>>, vector<16xi32>,
    %swap3A_388 = vector.shape_cast %swap3A_387 : vector<16xi32> to vector<16xi32>
    %swap3A_389 = vector.shape_cast %add3A_385 : vector<16xi32> to vector<16xi32>
    tpu.vector_store %arg7[%swap3A_386], %swap3A_389 {strides = array<i32>} : memref<2048xi32, #tpu.memory_space<vmem>>, vector<16xi32>,
    %add3A_390 = arith.constant 512 : i32
    %add3A_391 = vector.broadcast %add3A_390 : i32 to vector<16xi32>
    %add3A_392 = arith.addi %get3A_361, %add3A_391 : vector<16xi32>
    %swap3A_393 = arith.constant 576 : index
    %swap3A_394 = tpu.vector_load %arg7[%swap3A_393] {strides = array<i32>} : memref<2048xi32, #tpu.memory_space<vmem>>, vector<16xi32>,
    %swap3A_395 = vector.shape_cast %swap3A_394 : vector<16xi32> to vector<16xi32>
    %swap3A_396 = vector.shape_cast %add3A_392 : vector<16xi32> to vector<16xi32>
    tpu.vector_store %arg7[%swap3A_393], %swap3A_396 {strides = array<i32>} : memref<2048xi32, #tpu.memory_space<vmem>>, vector<16xi32>,
    %add3A_397 = arith.constant 640 : i32
    %add3A_398 = vector.broadcast %add3A_397 : i32 to vector<16xi32>
    %add3A_399 = arith.addi %get3A_361, %add3A_398 : vector<16xi32>
    %swap3A_400 = arith.constant 704 : index
    %swap3A_401 = tpu.vector_load %arg7[%swap3A_400] {strides = array<i32>} : memref<2048xi32, #tpu.memory_space<vmem>>, vector<16xi32>,
    %swap3A_402 = vector.shape_cast %swap3A_401 : vector<16xi32> to vector<16xi32>
    %swap3A_403 = vector.shape_cast %add3A_399 : vector<16xi32> to vector<16xi32>
    tpu.vector_store %arg7[%swap3A_400], %swap3A_403 {strides = array<i32>} : memref<2048xi32, #tpu.memory_space<vmem>>, vector<16xi32>,
    %add3A_404 = arith.constant 768 : i32
    %add3A_405 = vector.broadcast %add3A_404 : i32 to vector<16xi32>
    %add3A_406 = arith.addi %get3A_361, %add3A_405 : vector<16xi32>
    %swap3A_407 = arith.constant 832 : index
    %swap3A_408 = tpu.vector_load %arg7[%swap3A_407] {strides = array<i32>} : memref<2048xi32, #tpu.memory_space<vmem>>, vector<16xi32>,
    %swap3A_409 = vector.shape_cast %swap3A_408 : vector<16xi32> to vector<16xi32>
    %swap3A_410 = vector.shape_cast %add3A_406 : vector<16xi32> to vector<16xi32>
    tpu.vector_store %arg7[%swap3A_407], %swap3A_410 {strides = array<i32>} : memref<2048xi32, #tpu.memory_space<vmem>>, vector<16xi32>,
    %add3A_411 = arith.constant 896 : i32
    %add3A_412 = vector.broadcast %add3A_411 : i32 to vector<16xi32>
    %add3A_413 = arith.addi %get3A_361, %add3A_412 : vector<16xi32>
    %swap3A_414 = arith.constant 960 : index
    %swap3A_415 = tpu.vector_load %arg7[%swap3A_414] {strides = array<i32>} : memref<2048xi32, #tpu.memory_space<vmem>>, vector<16xi32>,
    %swap3A_416 = vector.shape_cast %swap3A_415 : vector<16xi32> to vector<16xi32>
    %swap3A_417 = vector.shape_cast %add3A_413 : vector<16xi32> to vector<16xi32>
    tpu.vector_store %arg7[%swap3A_414], %swap3A_417 {strides = array<i32>} : memref<2048xi32, #tpu.memory_space<vmem>>, vector<16xi32>,
    %get3A_418 = arith.constant 80 : index
    %get3A_419 = tpu.vector_load %arg6[%get3A_418] {strides = array<i32>} : memref<128xi32, #tpu.memory_space<vmem>>, vector<16xi32>,
    %get3A_420 = vector.shape_cast %get3A_419 : vector<16xi32> to vector<16xi32>
    %add3A_421 = arith.constant 0 : i32
    %add3A_422 = vector.broadcast %add3A_421 : i32 to vector<16xi32>
    %add3A_423 = arith.addi %get3A_420, %add3A_422 : vector<16xi32>
    %swap3A_424 = arith.constant 80 : index
    %swap3A_425 = tpu.vector_load %arg7[%swap3A_424] {strides = array<i32>} : memref<2048xi32, #tpu.memory_space<vmem>>, vector<16xi32>,
    %swap3A_426 = vector.shape_cast %swap3A_425 : vector<16xi32> to vector<16xi32>
    %swap3A_427 = vector.shape_cast %add3A_423 : vector<16xi32> to vector<16xi32>
    tpu.vector_store %arg7[%swap3A_424], %swap3A_427 {strides = array<i32>} : memref<2048xi32, #tpu.memory_space<vmem>>, vector<16xi32>,
    %add3A_428 = arith.constant 128 : i32
    %add3A_429 = vector.broadcast %add3A_428 : i32 to vector<16xi32>
    %add3A_430 = arith.addi %get3A_420, %add3A_429 : vector<16xi32>
    %swap3A_431 = arith.constant 208 : index
    %swap3A_432 = tpu.vector_load %arg7[%swap3A_431] {strides = array<i32>} : memref<2048xi32, #tpu.memory_space<vmem>>, vector<16xi32>,
    %swap3A_433 = vector.shape_cast %swap3A_432 : vector<16xi32> to vector<16xi32>
    %swap3A_434 = vector.shape_cast %add3A_430 : vector<16xi32> to vector<16xi32>
    tpu.vector_store %arg7[%swap3A_431], %swap3A_434 {strides = array<i32>} : memref<2048xi32, #tpu.memory_space<vmem>>, vector<16xi32>,
    %add3A_435 = arith.constant 256 : i32
    %add3A_436 = vector.broadcast %add3A_435 : i32 to vector<16xi32>
    %add3A_437 = arith.addi %get3A_420, %add3A_436 : vector<16xi32>
    %swap3A_438 = arith.constant 336 : index
    %swap3A_439 = tpu.vector_load %arg7[%swap3A_438] {strides = array<i32>} : memref<2048xi32, #tpu.memory_space<vmem>>, vector<16xi32>,
    %swap3A_440 = vector.shape_cast %swap3A_439 : vector<16xi32> to vector<16xi32>
    %swap3A_441 = vector.shape_cast %add3A_437 : vector<16xi32> to vector<16xi32>
    tpu.vector_store %arg7[%swap3A_438], %swap3A_441 {strides = array<i32>} : memref<2048xi32, #tpu.memory_space<vmem>>, vector<16xi32>,
    %add3A_442 = arith.constant 384 : i32
    %add3A_443 = vector.broadcast %add3A_442 : i32 to vector<16xi32>
    %add3A_444 = arith.addi %get3A_420, %add3A_443 : vector<16xi32>
    %swap3A_445 = arith.constant 464 : index
    %swap3A_446 = tpu.vector_load %arg7[%swap3A_445] {strides = array<i32>} : memref<2048xi32, #tpu.memory_space<vmem>>, vector<16xi32>,
    %swap3A_447 = vector.shape_cast %swap3A_446 : vector<16xi32> to vector<16xi32>
    %swap3A_448 = vector.shape_cast %add3A_444 : vector<16xi32> to vector<16xi32>
    tpu.vector_store %arg7[%swap3A_445], %swap3A_448 {strides = array<i32>} : memref<2048xi32, #tpu.memory_space<vmem>>, vector<16xi32>,
    %add3A_449 = arith.constant 512 : i32
    %add3A_450 = vector.broadcast %add3A_449 : i32 to vector<16xi32>
    %add3A_451 = arith.addi %get3A_420, %add3A_450 : vector<16xi32>
    %swap3A_452 = arith.constant 592 : index
    %swap3A_453 = tpu.vector_load %arg7[%swap3A_452] {strides = array<i32>} : memref<2048xi32, #tpu.memory_space<vmem>>, vector<16xi32>,
    %swap3A_454 = vector.shape_cast %swap3A_453 : vector<16xi32> to vector<16xi32>
    %swap3A_455 = vector.shape_cast %add3A_451 : vector<16xi32> to vector<16xi32>
    tpu.vector_store %arg7[%swap3A_452], %swap3A_455 {strides = array<i32>} : memref<2048xi32, #tpu.memory_space<vmem>>, vector<16xi32>,
    %add3A_456 = arith.constant 640 : i32
    %add3A_457 = vector.broadcast %add3A_456 : i32 to vector<16xi32>
    %add3A_458 = arith.addi %get3A_420, %add3A_457 : vector<16xi32>
    %swap3A_459 = arith.constant 720 : index
    %swap3A_460 = tpu.vector_load %arg7[%swap3A_459] {strides = array<i32>} : memref<2048xi32, #tpu.memory_space<vmem>>, vector<16xi32>,
    %swap3A_461 = vector.shape_cast %swap3A_460 : vector<16xi32> to vector<16xi32>
    %swap3A_462 = vector.shape_cast %add3A_458 : vector<16xi32> to vector<16xi32>
    tpu.vector_store %arg7[%swap3A_459], %swap3A_462 {strides = array<i32>} : memref<2048xi32, #tpu.memory_space<vmem>>, vector<16xi32>,
    %add3A_463 = arith.constant 768 : i32
    %add3A_464 = vector.broadcast %add3A_463 : i32 to vector<16xi32>
    %add3A_465 = arith.addi %get3A_420, %add3A_464 : vector<16xi32>
    %swap3A_466 = arith.constant 848 : index
    %swap3A_467 = tpu.vector_load %arg7[%swap3A_466] {strides = array<i32>} : memref<2048xi32, #tpu.memory_space<vmem>>, vector<16xi32>,
    %swap3A_468 = vector.shape_cast %swap3A_467 : vector<16xi32> to vector<16xi32>
    %swap3A_469 = vector.shape_cast %add3A_465 : vector<16xi32> to vector<16xi32>
    tpu.vector_store %arg7[%swap3A_466], %swap3A_469 {strides = array<i32>} : memref<2048xi32, #tpu.memory_space<vmem>>, vector<16xi32>,
    %add3A_470 = arith.constant 896 : i32
    %add3A_471 = vector.broadcast %add3A_470 : i32 to vector<16xi32>
    %add3A_472 = arith.addi %get3A_420, %add3A_471 : vector<16xi32>
    %swap3A_473 = arith.constant 976 : index
    %swap3A_474 = tpu.vector_load %arg7[%swap3A_473] {strides = array<i32>} : memref<2048xi32, #tpu.memory_space<vmem>>, vector<16xi32>,
    %swap3A_475 = vector.shape_cast %swap3A_474 : vector<16xi32> to vector<16xi32>
    %swap3A_476 = vector.shape_cast %add3A_472 : vector<16xi32> to vector<16xi32>
    tpu.vector_store %arg7[%swap3A_473], %swap3A_476 {strides = array<i32>} : memref<2048xi32, #tpu.memory_space<vmem>>, vector<16xi32>,
    %get3A_477 = arith.constant 96 : index
    %get3A_478 = tpu.vector_load %arg6[%get3A_477] {strides = array<i32>} : memref<128xi32, #tpu.memory_space<vmem>>, vector<16xi32>,
    %get3A_479 = vector.shape_cast %get3A_478 : vector<16xi32> to vector<16xi32>
    %add3A_480 = arith.constant 0 : i32
    %add3A_481 = vector.broadcast %add3A_480 : i32 to vector<16xi32>
    %add3A_482 = arith.addi %get3A_479, %add3A_481 : vector<16xi32>
    %swap3A_483 = arith.constant 96 : index
    %swap3A_484 = tpu.vector_load %arg7[%swap3A_483] {strides = array<i32>} : memref<2048xi32, #tpu.memory_space<vmem>>, vector<16xi32>,
    %swap3A_485 = vector.shape_cast %swap3A_484 : vector<16xi32> to vector<16xi32>
    %swap3A_486 = vector.shape_cast %add3A_482 : vector<16xi32> to vector<16xi32>
    tpu.vector_store %arg7[%swap3A_483], %swap3A_486 {strides = array<i32>} : memref<2048xi32, #tpu.memory_space<vmem>>, vector<16xi32>,
    %add3A_487 = arith.constant 128 : i32
    %add3A_488 = vector.broadcast %add3A_487 : i32 to vector<16xi32>
    %add3A_489 = arith.addi %get3A_479, %add3A_488 : vector<16xi32>
    %swap3A_490 = arith.constant 224 : index
    %swap3A_491 = tpu.vector_load %arg7[%swap3A_490] {strides = array<i32>} : memref<2048xi32, #tpu.memory_space<vmem>>, vector<16xi32>,
    %swap3A_492 = vector.shape_cast %swap3A_491 : vector<16xi32> to vector<16xi32>
    %swap3A_493 = vector.shape_cast %add3A_489 : vector<16xi32> to vector<16xi32>
    tpu.vector_store %arg7[%swap3A_490], %swap3A_493 {strides = array<i32>} : memref<2048xi32, #tpu.memory_space<vmem>>, vector<16xi32>,
    %add3A_494 = arith.constant 256 : i32
    %add3A_495 = vector.broadcast %add3A_494 : i32 to vector<16xi32>
    %add3A_496 = arith.addi %get3A_479, %add3A_495 : vector<16xi32>
    %swap3A_497 = arith.constant 352 : index
    %swap3A_498 = tpu.vector_load %arg7[%swap3A_497] {strides = array<i32>} : memref<2048xi32, #tpu.memory_space<vmem>>, vector<16xi32>,
    %swap3A_499 = vector.shape_cast %swap3A_498 : vector<16xi32> to vector<16xi32>
    %swap3A_500 = vector.shape_cast %add3A_496 : vector<16xi32> to vector<16xi32>
    tpu.vector_store %arg7[%swap3A_497], %swap3A_500 {strides = array<i32>} : memref<2048xi32, #tpu.memory_space<vmem>>, vector<16xi32>,
    %add3A_501 = arith.constant 384 : i32
    %add3A_502 = vector.broadcast %add3A_501 : i32 to vector<16xi32>
    %add3A_503 = arith.addi %get3A_479, %add3A_502 : vector<16xi32>
    %swap3A_504 = arith.constant 480 : index
    %swap3A_505 = tpu.vector_load %arg7[%swap3A_504] {strides = array<i32>} : memref<2048xi32, #tpu.memory_space<vmem>>, vector<16xi32>,
    %swap3A_506 = vector.shape_cast %swap3A_505 : vector<16xi32> to vector<16xi32>
    %swap3A_507 = vector.shape_cast %add3A_503 : vector<16xi32> to vector<16xi32>
    tpu.vector_store %arg7[%swap3A_504], %swap3A_507 {strides = array<i32>} : memref<2048xi32, #tpu.memory_space<vmem>>, vector<16xi32>,
    %add3A_508 = arith.constant 512 : i32
    %add3A_509 = vector.broadcast %add3A_508 : i32 to vector<16xi32>
    %add3A_510 = arith.addi %get3A_479, %add3A_509 : vector<16xi32>
    %swap3A_511 = arith.constant 608 : index
    %swap3A_512 = tpu.vector_load %arg7[%swap3A_511] {strides = array<i32>} : memref<2048xi32, #tpu.memory_space<vmem>>, vector<16xi32>,
    %swap3A_513 = vector.shape_cast %swap3A_512 : vector<16xi32> to vector<16xi32>
    %swap3A_514 = vector.shape_cast %add3A_510 : vector<16xi32> to vector<16xi32>
    tpu.vector_store %arg7[%swap3A_511], %swap3A_514 {strides = array<i32>} : memref<2048xi32, #tpu.memory_space<vmem>>, vector<16xi32>,
    %add3A_515 = arith.constant 640 : i32
    %add3A_516 = vector.broadcast %add3A_515 : i32 to vector<16xi32>
    %add3A_517 = arith.addi %get3A_479, %add3A_516 : vector<16xi32>
    %swap3A_518 = arith.constant 736 : index
    %swap3A_519 = tpu.vector_load %arg7[%swap3A_518] {strides = array<i32>} : memref<2048xi32, #tpu.memory_space<vmem>>, vector<16xi32>,
    %swap3A_520 = vector.shape_cast %swap3A_519 : vector<16xi32> to vector<16xi32>
    %swap3A_521 = vector.shape_cast %add3A_517 : vector<16xi32> to vector<16xi32>
    tpu.vector_store %arg7[%swap3A_518], %swap3A_521 {strides = array<i32>} : memref<2048xi32, #tpu.memory_space<vmem>>, vector<16xi32>,
    %add3A_522 = arith.constant 768 : i32
    %add3A_523 = vector.broadcast %add3A_522 : i32 to vector<16xi32>
    %add3A_524 = arith.addi %get3A_479, %add3A_523 : vector<16xi32>
    %swap3A_525 = arith.constant 864 : index
    %swap3A_526 = tpu.vector_load %arg7[%swap3A_525] {strides = array<i32>} : memref<2048xi32, #tpu.memory_space<vmem>>, vector<16xi32>,
    %swap3A_527 = vector.shape_cast %swap3A_526 : vector<16xi32> to vector<16xi32>
    %swap3A_528 = vector.shape_cast %add3A_524 : vector<16xi32> to vector<16xi32>
    tpu.vector_store %arg7[%swap3A_525], %swap3A_528 {strides = array<i32>} : memref<2048xi32, #tpu.memory_space<vmem>>, vector<16xi32>,
    %add3A_529 = arith.constant 896 : i32
    %add3A_530 = vector.broadcast %add3A_529 : i32 to vector<16xi32>
    %add3A_531 = arith.addi %get3A_479, %add3A_530 : vector<16xi32>
    %swap3A_532 = arith.constant 992 : index
    %swap3A_533 = tpu.vector_load %arg7[%swap3A_532] {strides = array<i32>} : memref<2048xi32, #tpu.memory_space<vmem>>, vector<16xi32>,
    %swap3A_534 = vector.shape_cast %swap3A_533 : vector<16xi32> to vector<16xi32>
    %swap3A_535 = vector.shape_cast %add3A_531 : vector<16xi32> to vector<16xi32>
    tpu.vector_store %arg7[%swap3A_532], %swap3A_535 {strides = array<i32>} : memref<2048xi32, #tpu.memory_space<vmem>>, vector<16xi32>,
    %get3A_536 = arith.constant 112 : index
    %get3A_537 = tpu.vector_load %arg6[%get3A_536] {strides = array<i32>} : memref<128xi32, #tpu.memory_space<vmem>>, vector<16xi32>,
    %get3A_538 = vector.shape_cast %get3A_537 : vector<16xi32> to vector<16xi32>
    %add3A_539 = arith.constant 0 : i32
    %add3A_540 = vector.broadcast %add3A_539 : i32 to vector<16xi32>
    %add3A_541 = arith.addi %get3A_538, %add3A_540 : vector<16xi32>
    %swap3A_542 = arith.constant 112 : index
    %swap3A_543 = tpu.vector_load %arg7[%swap3A_542] {strides = array<i32>} : memref<2048xi32, #tpu.memory_space<vmem>>, vector<16xi32>,
    %swap3A_544 = vector.shape_cast %swap3A_543 : vector<16xi32> to vector<16xi32>
    %swap3A_545 = vector.shape_cast %add3A_541 : vector<16xi32> to vector<16xi32>
    tpu.vector_store %arg7[%swap3A_542], %swap3A_545 {strides = array<i32>} : memref<2048xi32, #tpu.memory_space<vmem>>, vector<16xi32>,
    %add3A_546 = arith.constant 128 : i32
    %add3A_547 = vector.broadcast %add3A_546 : i32 to vector<16xi32>
    %add3A_548 = arith.addi %get3A_538, %add3A_547 : vector<16xi32>
    %swap3A_549 = arith.constant 240 : index
    %swap3A_550 = tpu.vector_load %arg7[%swap3A_549] {strides = array<i32>} : memref<2048xi32, #tpu.memory_space<vmem>>, vector<16xi32>,
    %swap3A_551 = vector.shape_cast %swap3A_550 : vector<16xi32> to vector<16xi32>
    %swap3A_552 = vector.shape_cast %add3A_548 : vector<16xi32> to vector<16xi32>
    tpu.vector_store %arg7[%swap3A_549], %swap3A_552 {strides = array<i32>} : memref<2048xi32, #tpu.memory_space<vmem>>, vector<16xi32>,
    %add3A_553 = arith.constant 256 : i32
    %add3A_554 = vector.broadcast %add3A_553 : i32 to vector<16xi32>
    %add3A_555 = arith.addi %get3A_538, %add3A_554 : vector<16xi32>
    %swap3A_556 = arith.constant 368 : index
    %swap3A_557 = tpu.vector_load %arg7[%swap3A_556] {strides = array<i32>} : memref<2048xi32, #tpu.memory_space<vmem>>, vector<16xi32>,
    %swap3A_558 = vector.shape_cast %swap3A_557 : vector<16xi32> to vector<16xi32>
    %swap3A_559 = vector.shape_cast %add3A_555 : vector<16xi32> to vector<16xi32>
    tpu.vector_store %arg7[%swap3A_556], %swap3A_559 {strides = array<i32>} : memref<2048xi32, #tpu.memory_space<vmem>>, vector<16xi32>,
    %add3A_560 = arith.constant 384 : i32
    %add3A_561 = vector.broadcast %add3A_560 : i32 to vector<16xi32>
    %add3A_562 = arith.addi %get3A_538, %add3A_561 : vector<16xi32>
    %swap3A_563 = arith.constant 496 : index
    %swap3A_564 = tpu.vector_load %arg7[%swap3A_563] {strides = array<i32>} : memref<2048xi32, #tpu.memory_space<vmem>>, vector<16xi32>,
    %swap3A_565 = vector.shape_cast %swap3A_564 : vector<16xi32> to vector<16xi32>
    %swap3A_566 = vector.shape_cast %add3A_562 : vector<16xi32> to vector<16xi32>
    tpu.vector_store %arg7[%swap3A_563], %swap3A_566 {strides = array<i32>} : memref<2048xi32, #tpu.memory_space<vmem>>, vector<16xi32>,
    %add3A_567 = arith.constant 512 : i32
    %add3A_568 = vector.broadcast %add3A_567 : i32 to vector<16xi32>
    %add3A_569 = arith.addi %get3A_538, %add3A_568 : vector<16xi32>
    %swap3A_570 = arith.constant 624 : index
    %swap3A_571 = tpu.vector_load %arg7[%swap3A_570] {strides = array<i32>} : memref<2048xi32, #tpu.memory_space<vmem>>, vector<16xi32>,
    %swap3A_572 = vector.shape_cast %swap3A_571 : vector<16xi32> to vector<16xi32>
    %swap3A_573 = vector.shape_cast %add3A_569 : vector<16xi32> to vector<16xi32>
    tpu.vector_store %arg7[%swap3A_570], %swap3A_573 {strides = array<i32>} : memref<2048xi32, #tpu.memory_space<vmem>>, vector<16xi32>,
    %add3A_574 = arith.constant 640 : i32
    %add3A_575 = vector.broadcast %add3A_574 : i32 to vector<16xi32>
    %add3A_576 = arith.addi %get3A_538, %add3A_575 : vector<16xi32>
    %swap3A_577 = arith.constant 752 : index
    %swap3A_578 = tpu.vector_load %arg7[%swap3A_577] {strides = array<i32>} : memref<2048xi32, #tpu.memory_space<vmem>>, vector<16xi32>,
    %swap3A_579 = vector.shape_cast %swap3A_578 : vector<16xi32> to vector<16xi32>
    %swap3A_580 = vector.shape_cast %add3A_576 : vector<16xi32> to vector<16xi32>
    tpu.vector_store %arg7[%swap3A_577], %swap3A_580 {strides = array<i32>} : memref<2048xi32, #tpu.memory_space<vmem>>, vector<16xi32>,
    %add3A_581 = arith.constant 768 : i32
    %add3A_582 = vector.broadcast %add3A_581 : i32 to vector<16xi32>
    %add3A_583 = arith.addi %get3A_538, %add3A_582 : vector<16xi32>
    %swap3A_584 = arith.constant 880 : index
    %swap3A_585 = tpu.vector_load %arg7[%swap3A_584] {strides = array<i32>} : memref<2048xi32, #tpu.memory_space<vmem>>, vector<16xi32>,
    %swap3A_586 = vector.shape_cast %swap3A_585 : vector<16xi32> to vector<16xi32>
    %swap3A_587 = vector.shape_cast %add3A_583 : vector<16xi32> to vector<16xi32>
    tpu.vector_store %arg7[%swap3A_584], %swap3A_587 {strides = array<i32>} : memref<2048xi32, #tpu.memory_space<vmem>>, vector<16xi32>,
    %add3A_588 = arith.constant 896 : i32
    %add3A_589 = vector.broadcast %add3A_588 : i32 to vector<16xi32>
    %add3A_590 = arith.addi %get3A_538, %add3A_589 : vector<16xi32>
    %swap3A_591 = arith.constant 1008 : index
    %swap3A_592 = tpu.vector_load %arg7[%swap3A_591] {strides = array<i32>} : memref<2048xi32, #tpu.memory_space<vmem>>, vector<16xi32>,
    %swap3A_593 = vector.shape_cast %swap3A_592 : vector<16xi32> to vector<16xi32>
    %swap3A_594 = vector.shape_cast %add3A_590 : vector<16xi32> to vector<16xi32>
    tpu.vector_store %arg7[%swap3A_591], %swap3A_594 {strides = array<i32>} : memref<2048xi32, #tpu.memory_space<vmem>>, vector<16xi32>,
    %dma_start3A = arith.constant 0 : i32
    %dma_start3A_595 = tpu.memref_slice %arg8[%dma_start3A] : memref<2048xf32, #tpu.memory_space<vmem>> -> memref<1024xf32, #tpu.memory_space<vmem>>
    %dma_start3A_596 = arith.constant 0 : i32
    %dma_start3A_597 = tpu.memref_slice %arg7[%dma_start3A_596] : memref<2048xi32, #tpu.memory_space<vmem>> -> memref<1024xi32, #tpu.memory_space<vmem>>
    %dma_start3A_598 = arith.constant 0 : i32
    %dma_start3A_599 = tpu.memref_slice %arg2[%dma_start3A_598] : memref<65536000xf32, #tpu.memory_space<hbm>> -> memref<65536000xf32, #tpu.memory_space<hbm>>
    tpu.enqueue_indirect_dma source(%dma_start3A_599 : memref<65536000xf32, #tpu.memory_space<hbm>>) target(%dma_start3A_595 : memref<1024xf32, #tpu.memory_space<vmem>>) offsets(%dma_start3A_597 : memref<1024xi32, #tpu.memory_space<vmem>>) semaphore(%arg9 : memref<!tpu.dma_semaphore, #tpu.memory_space<semaphore_mem>>)
    %get3A_600 = arith.constant 0 : index
    %get3A_601 = tpu.vector_load %arg6[%get3A_600] {strides = array<i32>} : memref<128xi32, #tpu.memory_space<vmem>>, vector<16xi32>,
    %get3A_602 = vector.shape_cast %get3A_601 : vector<16xi32> to vector<16xi32>
    %add3A_603 = arith.constant 32768 : i32
    %add3A_604 = vector.broadcast %add3A_603 : i32 to vector<16xi32>
    %add3A_605 = arith.addi %get3A_602, %add3A_604 : vector<16xi32>
    %swap3A_606 = arith.constant 1024 : index
    %swap3A_607 = tpu.vector_load %arg7[%swap3A_606] {strides = array<i32>} : memref<2048xi32, #tpu.memory_space<vmem>>, vector<16xi32>,
    %swap3A_608 = vector.shape_cast %swap3A_607 : vector<16xi32> to vector<16xi32>
    %swap3A_609 = vector.shape_cast %add3A_605 : vector<16xi32> to vector<16xi32>
    tpu.vector_store %arg7[%swap3A_606], %swap3A_609 {strides = array<i32>} : memref<2048xi32, #tpu.memory_space<vmem>>, vector<16xi32>,
    %add3A_610 = arith.constant 32896 : i32
    %add3A_611 = vector.broadcast %add3A_610 : i32 to vector<16xi32>
    %add3A_612 = arith.addi %get3A_602, %add3A_611 : vector<16xi32>
    %swap3A_613 = arith.constant 1152 : index
    %swap3A_614 = tpu.vector_load %arg7[%swap3A_613] {strides = array<i32>} : memref<2048xi32, #tpu.memory_space<vmem>>, vector<16xi32>,
    %swap3A_615 = vector.shape_cast %swap3A_614 : vector<16xi32> to vector<16xi32>
    %swap3A_616 = vector.shape_cast %add3A_612 : vector<16xi32> to vector<16xi32>
    tpu.vector_store %arg7[%swap3A_613], %swap3A_616 {strides = array<i32>} : memref<2048xi32, #tpu.memory_space<vmem>>, vector<16xi32>,
    %add3A_617 = arith.constant 33024 : i32
    %add3A_618 = vector.broadcast %add3A_617 : i32 to vector<16xi32>
    %add3A_619 = arith.addi %get3A_602, %add3A_618 : vector<16xi32>
    %swap3A_620 = arith.constant 1280 : index
    %swap3A_621 = tpu.vector_load %arg7[%swap3A_620] {strides = array<i32>} : memref<2048xi32, #tpu.memory_space<vmem>>, vector<16xi32>,
    %swap3A_622 = vector.shape_cast %swap3A_621 : vector<16xi32> to vector<16xi32>
    %swap3A_623 = vector.shape_cast %add3A_619 : vector<16xi32> to vector<16xi32>
    tpu.vector_store %arg7[%swap3A_620], %swap3A_623 {strides = array<i32>} : memref<2048xi32, #tpu.memory_space<vmem>>, vector<16xi32>,
    %add3A_624 = arith.constant 33152 : i32
    %add3A_625 = vector.broadcast %add3A_624 : i32 to vector<16xi32>
    %add3A_626 = arith.addi %get3A_602, %add3A_625 : vector<16xi32>
    %swap3A_627 = arith.constant 1408 : index
    %swap3A_628 = tpu.vector_load %arg7[%swap3A_627] {strides = array<i32>} : memref<2048xi32, #tpu.memory_space<vmem>>, vector<16xi32>,
    %swap3A_629 = vector.shape_cast %swap3A_628 : vector<16xi32> to vector<16xi32>
    %swap3A_630 = vector.shape_cast %add3A_626 : vector<16xi32> to vector<16xi32>
    tpu.vector_store %arg7[%swap3A_627], %swap3A_630 {strides = array<i32>} : memref<2048xi32, #tpu.memory_space<vmem>>, vector<16xi32>,
    %add3A_631 = arith.constant 33280 : i32
    %add3A_632 = vector.broadcast %add3A_631 : i32 to vector<16xi32>
    %add3A_633 = arith.addi %get3A_602, %add3A_632 : vector<16xi32>
    %swap3A_634 = arith.constant 1536 : index
    %swap3A_635 = tpu.vector_load %arg7[%swap3A_634] {strides = array<i32>} : memref<2048xi32, #tpu.memory_space<vmem>>, vector<16xi32>,
    %swap3A_636 = vector.shape_cast %swap3A_635 : vector<16xi32> to vector<16xi32>
    %swap3A_637 = vector.shape_cast %add3A_633 : vector<16xi32> to vector<16xi32>
    tpu.vector_store %arg7[%swap3A_634], %swap3A_637 {strides = array<i32>} : memref<2048xi32, #tpu.memory_space<vmem>>, vector<16xi32>,
    %add3A_638 = arith.constant 33408 : i32
    %add3A_639 = vector.broadcast %add3A_638 : i32 to vector<16xi32>
    %add3A_640 = arith.addi %get3A_602, %add3A_639 : vector<16xi32>
    %swap3A_641 = arith.constant 1664 : index
    %swap3A_642 = tpu.vector_load %arg7[%swap3A_641] {strides = array<i32>} : memref<2048xi32, #tpu.memory_space<vmem>>, vector<16xi32>,
    %swap3A_643 = vector.shape_cast %swap3A_642 : vector<16xi32> to vector<16xi32>
    %swap3A_644 = vector.shape_cast %add3A_640 : vector<16xi32> to vector<16xi32>
    tpu.vector_store %arg7[%swap3A_641], %swap3A_644 {strides = array<i32>} : memref<2048xi32, #tpu.memory_space<vmem>>, vector<16xi32>,
    %add3A_645 = arith.constant 33536 : i32
    %add3A_646 = vector.broadcast %add3A_645 : i32 to vector<16xi32>
    %add3A_647 = arith.addi %get3A_602, %add3A_646 : vector<16xi32>
    %swap3A_648 = arith.constant 1792 : index
    %swap3A_649 = tpu.vector_load %arg7[%swap3A_648] {strides = array<i32>} : memref<2048xi32, #tpu.memory_space<vmem>>, vector<16xi32>,
    %swap3A_650 = vector.shape_cast %swap3A_649 : vector<16xi32> to vector<16xi32>
    %swap3A_651 = vector.shape_cast %add3A_647 : vector<16xi32> to vector<16xi32>
    tpu.vector_store %arg7[%swap3A_648], %swap3A_651 {strides = array<i32>} : memref<2048xi32, #tpu.memory_space<vmem>>, vector<16xi32>,
    %add3A_652 = arith.constant 33664 : i32
    %add3A_653 = vector.broadcast %add3A_652 : i32 to vector<16xi32>
    %add3A_654 = arith.addi %get3A_602, %add3A_653 : vector<16xi32>
    %swap3A_655 = arith.constant 1920 : index
    %swap3A_656 = tpu.vector_load %arg7[%swap3A_655] {strides = array<i32>} : memref<2048xi32, #tpu.memory_space<vmem>>, vector<16xi32>,
    %swap3A_657 = vector.shape_cast %swap3A_656 : vector<16xi32> to vector<16xi32>
    %swap3A_658 = vector.shape_cast %add3A_654 : vector<16xi32> to vector<16xi32>
    tpu.vector_store %arg7[%swap3A_655], %swap3A_658 {strides = array<i32>} : memref<2048xi32, #tpu.memory_space<vmem>>, vector<16xi32>,
    %get3A_659 = arith.constant 16 : index
    %get3A_660 = tpu.vector_load %arg6[%get3A_659] {strides = array<i32>} : memref<128xi32, #tpu.memory_space<vmem>>, vector<16xi32>,
    %get3A_661 = vector.shape_cast %get3A_660 : vector<16xi32> to vector<16xi32>
    %add3A_662 = arith.constant 32768 : i32
    %add3A_663 = vector.broadcast %add3A_662 : i32 to vector<16xi32>
    %add3A_664 = arith.addi %get3A_661, %add3A_663 : vector<16xi32>
    %swap3A_665 = arith.constant 1040 : index
    %swap3A_666 = tpu.vector_load %arg7[%swap3A_665] {strides = array<i32>} : memref<2048xi32, #tpu.memory_space<vmem>>, vector<16xi32>,
    %swap3A_667 = vector.shape_cast %swap3A_666 : vector<16xi32> to vector<16xi32>
    %swap3A_668 = vector.shape_cast %add3A_664 : vector<16xi32> to vector<16xi32>
    tpu.vector_store %arg7[%swap3A_665], %swap3A_668 {strides = array<i32>} : memref<2048xi32, #tpu.memory_space<vmem>>, vector<16xi32>,
    %add3A_669 = arith.constant 32896 : i32
    %add3A_670 = vector.broadcast %add3A_669 : i32 to vector<16xi32>
    %add3A_671 = arith.addi %get3A_661, %add3A_670 : vector<16xi32>
    %swap3A_672 = arith.constant 1168 : index
    %swap3A_673 = tpu.vector_load %arg7[%swap3A_672] {strides = array<i32>} : memref<2048xi32, #tpu.memory_space<vmem>>, vector<16xi32>,
    %swap3A_674 = vector.shape_cast %swap3A_673 : vector<16xi32> to vector<16xi32>
    %swap3A_675 = vector.shape_cast %add3A_671 : vector<16xi32> to vector<16xi32>
    tpu.vector_store %arg7[%swap3A_672], %swap3A_675 {strides = array<i32>} : memref<2048xi32, #tpu.memory_space<vmem>>, vector<16xi32>,
    %add3A_676 = arith.constant 33024 : i32
    %add3A_677 = vector.broadcast %add3A_676 : i32 to vector<16xi32>
    %add3A_678 = arith.addi %get3A_661, %add3A_677 : vector<16xi32>
    %swap3A_679 = arith.constant 1296 : index
    %swap3A_680 = tpu.vector_load %arg7[%swap3A_679] {strides = array<i32>} : memref<2048xi32, #tpu.memory_space<vmem>>, vector<16xi32>,
    %swap3A_681 = vector.shape_cast %swap3A_680 : vector<16xi32> to vector<16xi32>
    %swap3A_682 = vector.shape_cast %add3A_678 : vector<16xi32> to vector<16xi32>
    tpu.vector_store %arg7[%swap3A_679], %swap3A_682 {strides = array<i32>} : memref<2048xi32, #tpu.memory_space<vmem>>, vector<16xi32>,
    %add3A_683 = arith.constant 33152 : i32
    %add3A_684 = vector.broadcast %add3A_683 : i32 to vector<16xi32>
    %add3A_685 = arith.addi %get3A_661, %add3A_684 : vector<16xi32>
    %swap3A_686 = arith.constant 1424 : index
    %swap3A_687 = tpu.vector_load %arg7[%swap3A_686] {strides = array<i32>} : memref<2048xi32, #tpu.memory_space<vmem>>, vector<16xi32>,
    %swap3A_688 = vector.shape_cast %swap3A_687 : vector<16xi32> to vector<16xi32>
    %swap3A_689 = vector.shape_cast %add3A_685 : vector<16xi32> to vector<16xi32>
    tpu.vector_store %arg7[%swap3A_686], %swap3A_689 {strides = array<i32>} : memref<2048xi32, #tpu.memory_space<vmem>>, vector<16xi32>,
    %add3A_690 = arith.constant 33280 : i32
    %add3A_691 = vector.broadcast %add3A_690 : i32 to vector<16xi32>
    %add3A_692 = arith.addi %get3A_661, %add3A_691 : vector<16xi32>
    %swap3A_693 = arith.constant 1552 : index
    %swap3A_694 = tpu.vector_load %arg7[%swap3A_693] {strides = array<i32>} : memref<2048xi32, #tpu.memory_space<vmem>>, vector<16xi32>,
    %swap3A_695 = vector.shape_cast %swap3A_694 : vector<16xi32> to vector<16xi32>
    %swap3A_696 = vector.shape_cast %add3A_692 : vector<16xi32> to vector<16xi32>
    tpu.vector_store %arg7[%swap3A_693], %swap3A_696 {strides = array<i32>} : memref<2048xi32, #tpu.memory_space<vmem>>, vector<16xi32>,
    %add3A_697 = arith.constant 33408 : i32
    %add3A_698 = vector.broadcast %add3A_697 : i32 to vector<16xi32>
    %add3A_699 = arith.addi %get3A_661, %add3A_698 : vector<16xi32>
    %swap3A_700 = arith.constant 1680 : index
    %swap3A_701 = tpu.vector_load %arg7[%swap3A_700] {strides = array<i32>} : memref<2048xi32, #tpu.memory_space<vmem>>, vector<16xi32>,
    %swap3A_702 = vector.shape_cast %swap3A_701 : vector<16xi32> to vector<16xi32>
    %swap3A_703 = vector.shape_cast %add3A_699 : vector<16xi32> to vector<16xi32>
    tpu.vector_store %arg7[%swap3A_700], %swap3A_703 {strides = array<i32>} : memref<2048xi32, #tpu.memory_space<vmem>>, vector<16xi32>,
    %add3A_704 = arith.constant 33536 : i32
    %add3A_705 = vector.broadcast %add3A_704 : i32 to vector<16xi32>
    %add3A_706 = arith.addi %get3A_661, %add3A_705 : vector<16xi32>
    %swap3A_707 = arith.constant 1808 : index
    %swap3A_708 = tpu.vector_load %arg7[%swap3A_707] {strides = array<i32>} : memref<2048xi32, #tpu.memory_space<vmem>>, vector<16xi32>,
    %swap3A_709 = vector.shape_cast %swap3A_708 : vector<16xi32> to vector<16xi32>
    %swap3A_710 = vector.shape_cast %add3A_706 : vector<16xi32> to vector<16xi32>
    tpu.vector_store %arg7[%swap3A_707], %swap3A_710 {strides = array<i32>} : memref<2048xi32, #tpu.memory_space<vmem>>, vector<16xi32>,
    %add3A_711 = arith.constant 33664 : i32
    %add3A_712 = vector.broadcast %add3A_711 : i32 to vector<16xi32>
    %add3A_713 = arith.addi %get3A_661, %add3A_712 : vector<16xi32>
    %swap3A_714 = arith.constant 1936 : index
    %swap3A_715 = tpu.vector_load %arg7[%swap3A_714] {strides = array<i32>} : memref<2048xi32, #tpu.memory_space<vmem>>, vector<16xi32>,
    %swap3A_716 = vector.shape_cast %swap3A_715 : vector<16xi32> to vector<16xi32>
    %swap3A_717 = vector.shape_cast %add3A_713 : vector<16xi32> to vector<16xi32>
    tpu.vector_store %arg7[%swap3A_714], %swap3A_717 {strides = array<i32>} : memref<2048xi32, #tpu.memory_space<vmem>>, vector<16xi32>,
    %get3A_718 = arith.constant 32 : index
    %get3A_719 = tpu.vector_load %arg6[%get3A_718] {strides = array<i32>} : memref<128xi32, #tpu.memory_space<vmem>>, vector<16xi32>,
    %get3A_720 = vector.shape_cast %get3A_719 : vector<16xi32> to vector<16xi32>
    %add3A_721 = arith.constant 32768 : i32
    %add3A_722 = vector.broadcast %add3A_721 : i32 to vector<16xi32>
    %add3A_723 = arith.addi %get3A_720, %add3A_722 : vector<16xi32>
    %swap3A_724 = arith.constant 1056 : index
    %swap3A_725 = tpu.vector_load %arg7[%swap3A_724] {strides = array<i32>} : memref<2048xi32, #tpu.memory_space<vmem>>, vector<16xi32>,
    %swap3A_726 = vector.shape_cast %swap3A_725 : vector<16xi32> to vector<16xi32>
    %swap3A_727 = vector.shape_cast %add3A_723 : vector<16xi32> to vector<16xi32>
    tpu.vector_store %arg7[%swap3A_724], %swap3A_727 {strides = array<i32>} : memref<2048xi32, #tpu.memory_space<vmem>>, vector<16xi32>,
    %add3A_728 = arith.constant 32896 : i32
    %add3A_729 = vector.broadcast %add3A_728 : i32 to vector<16xi32>
    %add3A_730 = arith.addi %get3A_720, %add3A_729 : vector<16xi32>
    %swap3A_731 = arith.constant 1184 : index
    %swap3A_732 = tpu.vector_load %arg7[%swap3A_731] {strides = array<i32>} : memref<2048xi32, #tpu.memory_space<vmem>>, vector<16xi32>,
    %swap3A_733 = vector.shape_cast %swap3A_732 : vector<16xi32> to vector<16xi32>
    %swap3A_734 = vector.shape_cast %add3A_730 : vector<16xi32> to vector<16xi32>
    tpu.vector_store %arg7[%swap3A_731], %swap3A_734 {strides = array<i32>} : memref<2048xi32, #tpu.memory_space<vmem>>, vector<16xi32>,
    %add3A_735 = arith.constant 33024 : i32
    %add3A_736 = vector.broadcast %add3A_735 : i32 to vector<16xi32>
    %add3A_737 = arith.addi %get3A_720, %add3A_736 : vector<16xi32>
    %swap3A_738 = arith.constant 1312 : index
    %swap3A_739 = tpu.vector_load %arg7[%swap3A_738] {strides = array<i32>} : memref<2048xi32, #tpu.memory_space<vmem>>, vector<16xi32>,
    %swap3A_740 = vector.shape_cast %swap3A_739 : vector<16xi32> to vector<16xi32>
    %swap3A_741 = vector.shape_cast %add3A_737 : vector<16xi32> to vector<16xi32>
    tpu.vector_store %arg7[%swap3A_738], %swap3A_741 {strides = array<i32>} : memref<2048xi32, #tpu.memory_space<vmem>>, vector<16xi32>,
    %add3A_742 = arith.constant 33152 : i32
    %add3A_743 = vector.broadcast %add3A_742 : i32 to vector<16xi32>
    %add3A_744 = arith.addi %get3A_720, %add3A_743 : vector<16xi32>
    %swap3A_745 = arith.constant 1440 : index
    %swap3A_746 = tpu.vector_load %arg7[%swap3A_745] {strides = array<i32>} : memref<2048xi32, #tpu.memory_space<vmem>>, vector<16xi32>,
    %swap3A_747 = vector.shape_cast %swap3A_746 : vector<16xi32> to vector<16xi32>
    %swap3A_748 = vector.shape_cast %add3A_744 : vector<16xi32> to vector<16xi32>
    tpu.vector_store %arg7[%swap3A_745], %swap3A_748 {strides = array<i32>} : memref<2048xi32, #tpu.memory_space<vmem>>, vector<16xi32>,
    %add3A_749 = arith.constant 33280 : i32
    %add3A_750 = vector.broadcast %add3A_749 : i32 to vector<16xi32>
    %add3A_751 = arith.addi %get3A_720, %add3A_750 : vector<16xi32>
    %swap3A_752 = arith.constant 1568 : index
    %swap3A_753 = tpu.vector_load %arg7[%swap3A_752] {strides = array<i32>} : memref<2048xi32, #tpu.memory_space<vmem>>, vector<16xi32>,
    %swap3A_754 = vector.shape_cast %swap3A_753 : vector<16xi32> to vector<16xi32>
    %swap3A_755 = vector.shape_cast %add3A_751 : vector<16xi32> to vector<16xi32>
    tpu.vector_store %arg7[%swap3A_752], %swap3A_755 {strides = array<i32>} : memref<2048xi32, #tpu.memory_space<vmem>>, vector<16xi32>,
    %add3A_756 = arith.constant 33408 : i32
    %add3A_757 = vector.broadcast %add3A_756 : i32 to vector<16xi32>
    %add3A_758 = arith.addi %get3A_720, %add3A_757 : vector<16xi32>
    %swap3A_759 = arith.constant 1696 : index
    %swap3A_760 = tpu.vector_load %arg7[%swap3A_759] {strides = array<i32>} : memref<2048xi32, #tpu.memory_space<vmem>>, vector<16xi32>,
    %swap3A_761 = vector.shape_cast %swap3A_760 : vector<16xi32> to vector<16xi32>
    %swap3A_762 = vector.shape_cast %add3A_758 : vector<16xi32> to vector<16xi32>
    tpu.vector_store %arg7[%swap3A_759], %swap3A_762 {strides = array<i32>} : memref<2048xi32, #tpu.memory_space<vmem>>, vector<16xi32>,
    %add3A_763 = arith.constant 33536 : i32
    %add3A_764 = vector.broadcast %add3A_763 : i32 to vector<16xi32>
    %add3A_765 = arith.addi %get3A_720, %add3A_764 : vector<16xi32>
    %swap3A_766 = arith.constant 1824 : index
    %swap3A_767 = tpu.vector_load %arg7[%swap3A_766] {strides = array<i32>} : memref<2048xi32, #tpu.memory_space<vmem>>, vector<16xi32>,
    %swap3A_768 = vector.shape_cast %swap3A_767 : vector<16xi32> to vector<16xi32>
    %swap3A_769 = vector.shape_cast %add3A_765 : vector<16xi32> to vector<16xi32>
    tpu.vector_store %arg7[%swap3A_766], %swap3A_769 {strides = array<i32>} : memref<2048xi32, #tpu.memory_space<vmem>>, vector<16xi32>,
    %add3A_770 = arith.constant 33664 : i32
    %add3A_771 = vector.broadcast %add3A_770 : i32 to vector<16xi32>
    %add3A_772 = arith.addi %get3A_720, %add3A_771 : vector<16xi32>
    %swap3A_773 = arith.constant 1952 : index
    %swap3A_774 = tpu.vector_load %arg7[%swap3A_773] {strides = array<i32>} : memref<2048xi32, #tpu.memory_space<vmem>>, vector<16xi32>,
    %swap3A_775 = vector.shape_cast %swap3A_774 : vector<16xi32> to vector<16xi32>
    %swap3A_776 = vector.shape_cast %add3A_772 : vector<16xi32> to vector<16xi32>
    tpu.vector_store %arg7[%swap3A_773], %swap3A_776 {strides = array<i32>} : memref<2048xi32, #tpu.memory_space<vmem>>, vector<16xi32>,
    %get3A_777 = arith.constant 48 : index
    %get3A_778 = tpu.vector_load %arg6[%get3A_777] {strides = array<i32>} : memref<128xi32, #tpu.memory_space<vmem>>, vector<16xi32>,
    %get3A_779 = vector.shape_cast %get3A_778 : vector<16xi32> to vector<16xi32>
    %add3A_780 = arith.constant 32768 : i32
    %add3A_781 = vector.broadcast %add3A_780 : i32 to vector<16xi32>
    %add3A_782 = arith.addi %get3A_779, %add3A_781 : vector<16xi32>
    %swap3A_783 = arith.constant 1072 : index
    %swap3A_784 = tpu.vector_load %arg7[%swap3A_783] {strides = array<i32>} : memref<2048xi32, #tpu.memory_space<vmem>>, vector<16xi32>,
    %swap3A_785 = vector.shape_cast %swap3A_784 : vector<16xi32> to vector<16xi32>
    %swap3A_786 = vector.shape_cast %add3A_782 : vector<16xi32> to vector<16xi32>
    tpu.vector_store %arg7[%swap3A_783], %swap3A_786 {strides = array<i32>} : memref<2048xi32, #tpu.memory_space<vmem>>, vector<16xi32>,
    %add3A_787 = arith.constant 32896 : i32
    %add3A_788 = vector.broadcast %add3A_787 : i32 to vector<16xi32>
    %add3A_789 = arith.addi %get3A_779, %add3A_788 : vector<16xi32>
    %swap3A_790 = arith.constant 1200 : index
    %swap3A_791 = tpu.vector_load %arg7[%swap3A_790] {strides = array<i32>} : memref<2048xi32, #tpu.memory_space<vmem>>, vector<16xi32>,
    %swap3A_792 = vector.shape_cast %swap3A_791 : vector<16xi32> to vector<16xi32>
    %swap3A_793 = vector.shape_cast %add3A_789 : vector<16xi32> to vector<16xi32>
    tpu.vector_store %arg7[%swap3A_790], %swap3A_793 {strides = array<i32>} : memref<2048xi32, #tpu.memory_space<vmem>>, vector<16xi32>,
    %add3A_794 = arith.constant 33024 : i32
    %add3A_795 = vector.broadcast %add3A_794 : i32 to vector<16xi32>
    %add3A_796 = arith.addi %get3A_779, %add3A_795 : vector<16xi32>
    %swap3A_797 = arith.constant 1328 : index
    %swap3A_798 = tpu.vector_load %arg7[%swap3A_797] {strides = array<i32>} : memref<2048xi32, #tpu.memory_space<vmem>>, vector<16xi32>,
    %swap3A_799 = vector.shape_cast %swap3A_798 : vector<16xi32> to vector<16xi32>
    %swap3A_800 = vector.shape_cast %add3A_796 : vector<16xi32> to vector<16xi32>
    tpu.vector_store %arg7[%swap3A_797], %swap3A_800 {strides = array<i32>} : memref<2048xi32, #tpu.memory_space<vmem>>, vector<16xi32>,
    %add3A_801 = arith.constant 33152 : i32
    %add3A_802 = vector.broadcast %add3A_801 : i32 to vector<16xi32>
    %add3A_803 = arith.addi %get3A_779, %add3A_802 : vector<16xi32>
    %swap3A_804 = arith.constant 1456 : index
    %swap3A_805 = tpu.vector_load %arg7[%swap3A_804] {strides = array<i32>} : memref<2048xi32, #tpu.memory_space<vmem>>, vector<16xi32>,
    %swap3A_806 = vector.shape_cast %swap3A_805 : vector<16xi32> to vector<16xi32>
    %swap3A_807 = vector.shape_cast %add3A_803 : vector<16xi32> to vector<16xi32>
    tpu.vector_store %arg7[%swap3A_804], %swap3A_807 {strides = array<i32>} : memref<2048xi32, #tpu.memory_space<vmem>>, vector<16xi32>,
    %add3A_808 = arith.constant 33280 : i32
    %add3A_809 = vector.broadcast %add3A_808 : i32 to vector<16xi32>
    %add3A_810 = arith.addi %get3A_779, %add3A_809 : vector<16xi32>
    %swap3A_811 = arith.constant 1584 : index
    %swap3A_812 = tpu.vector_load %arg7[%swap3A_811] {strides = array<i32>} : memref<2048xi32, #tpu.memory_space<vmem>>, vector<16xi32>,
    %swap3A_813 = vector.shape_cast %swap3A_812 : vector<16xi32> to vector<16xi32>
    %swap3A_814 = vector.shape_cast %add3A_810 : vector<16xi32> to vector<16xi32>
    tpu.vector_store %arg7[%swap3A_811], %swap3A_814 {strides = array<i32>} : memref<2048xi32, #tpu.memory_space<vmem>>, vector<16xi32>,
    %add3A_815 = arith.constant 33408 : i32
    %add3A_816 = vector.broadcast %add3A_815 : i32 to vector<16xi32>
    %add3A_817 = arith.addi %get3A_779, %add3A_816 : vector<16xi32>
    %swap3A_818 = arith.constant 1712 : index
    %swap3A_819 = tpu.vector_load %arg7[%swap3A_818] {strides = array<i32>} : memref<2048xi32, #tpu.memory_space<vmem>>, vector<16xi32>,
    %swap3A_820 = vector.shape_cast %swap3A_819 : vector<16xi32> to vector<16xi32>
    %swap3A_821 = vector.shape_cast %add3A_817 : vector<16xi32> to vector<16xi32>
    tpu.vector_store %arg7[%swap3A_818], %swap3A_821 {strides = array<i32>} : memref<2048xi32, #tpu.memory_space<vmem>>, vector<16xi32>,
    %add3A_822 = arith.constant 33536 : i32
    %add3A_823 = vector.broadcast %add3A_822 : i32 to vector<16xi32>
    %add3A_824 = arith.addi %get3A_779, %add3A_823 : vector<16xi32>
    %swap3A_825 = arith.constant 1840 : index
    %swap3A_826 = tpu.vector_load %arg7[%swap3A_825] {strides = array<i32>} : memref<2048xi32, #tpu.memory_space<vmem>>, vector<16xi32>,
    %swap3A_827 = vector.shape_cast %swap3A_826 : vector<16xi32> to vector<16xi32>
    %swap3A_828 = vector.shape_cast %add3A_824 : vector<16xi32> to vector<16xi32>
    tpu.vector_store %arg7[%swap3A_825], %swap3A_828 {strides = array<i32>} : memref<2048xi32, #tpu.memory_space<vmem>>, vector<16xi32>,
    %add3A_829 = arith.constant 33664 : i32
    %add3A_830 = vector.broadcast %add3A_829 : i32 to vector<16xi32>
    %add3A_831 = arith.addi %get3A_779, %add3A_830 : vector<16xi32>
    %swap3A_832 = arith.constant 1968 : index
    %swap3A_833 = tpu.vector_load %arg7[%swap3A_832] {strides = array<i32>} : memref<2048xi32, #tpu.memory_space<vmem>>, vector<16xi32>,
    %swap3A_834 = vector.shape_cast %swap3A_833 : vector<16xi32> to vector<16xi32>
    %swap3A_835 = vector.shape_cast %add3A_831 : vector<16xi32> to vector<16xi32>
    tpu.vector_store %arg7[%swap3A_832], %swap3A_835 {strides = array<i32>} : memref<2048xi32, #tpu.memory_space<vmem>>, vector<16xi32>,
    %get3A_836 = arith.constant 64 : index
    %get3A_837 = tpu.vector_load %arg6[%get3A_836] {strides = array<i32>} : memref<128xi32, #tpu.memory_space<vmem>>, vector<16xi32>,
    %get3A_838 = vector.shape_cast %get3A_837 : vector<16xi32> to vector<16xi32>
    %add3A_839 = arith.constant 32768 : i32
    %add3A_840 = vector.broadcast %add3A_839 : i32 to vector<16xi32>
    %add3A_841 = arith.addi %get3A_838, %add3A_840 : vector<16xi32>
    %swap3A_842 = arith.constant 1088 : index
    %swap3A_843 = tpu.vector_load %arg7[%swap3A_842] {strides = array<i32>} : memref<2048xi32, #tpu.memory_space<vmem>>, vector<16xi32>,
    %swap3A_844 = vector.shape_cast %swap3A_843 : vector<16xi32> to vector<16xi32>
    %swap3A_845 = vector.shape_cast %add3A_841 : vector<16xi32> to vector<16xi32>
    tpu.vector_store %arg7[%swap3A_842], %swap3A_845 {strides = array<i32>} : memref<2048xi32, #tpu.memory_space<vmem>>, vector<16xi32>,
    %add3A_846 = arith.constant 32896 : i32
    %add3A_847 = vector.broadcast %add3A_846 : i32 to vector<16xi32>
    %add3A_848 = arith.addi %get3A_838, %add3A_847 : vector<16xi32>
    %swap3A_849 = arith.constant 1216 : index
    %swap3A_850 = tpu.vector_load %arg7[%swap3A_849] {strides = array<i32>} : memref<2048xi32, #tpu.memory_space<vmem>>, vector<16xi32>,
    %swap3A_851 = vector.shape_cast %swap3A_850 : vector<16xi32> to vector<16xi32>
    %swap3A_852 = vector.shape_cast %add3A_848 : vector<16xi32> to vector<16xi32>
    tpu.vector_store %arg7[%swap3A_849], %swap3A_852 {strides = array<i32>} : memref<2048xi32, #tpu.memory_space<vmem>>, vector<16xi32>,
    %add3A_853 = arith.constant 33024 : i32
    %add3A_854 = vector.broadcast %add3A_853 : i32 to vector<16xi32>
    %add3A_855 = arith.addi %get3A_838, %add3A_854 : vector<16xi32>
    %swap3A_856 = arith.constant 1344 : index
    %swap3A_857 = tpu.vector_load %arg7[%swap3A_856] {strides = array<i32>} : memref<2048xi32, #tpu.memory_space<vmem>>, vector<16xi32>,
    %swap3A_858 = vector.shape_cast %swap3A_857 : vector<16xi32> to vector<16xi32>
    %swap3A_859 = vector.shape_cast %add3A_855 : vector<16xi32> to vector<16xi32>
    tpu.vector_store %arg7[%swap3A_856], %swap3A_859 {strides = array<i32>} : memref<2048xi32, #tpu.memory_space<vmem>>, vector<16xi32>,
    %add3A_860 = arith.constant 33152 : i32
    %add3A_861 = vector.broadcast %add3A_860 : i32 to vector<16xi32>
    %add3A_862 = arith.addi %get3A_838, %add3A_861 : vector<16xi32>
    %swap3A_863 = arith.constant 1472 : index
    %swap3A_864 = tpu.vector_load %arg7[%swap3A_863] {strides = array<i32>} : memref<2048xi32, #tpu.memory_space<vmem>>, vector<16xi32>,
    %swap3A_865 = vector.shape_cast %swap3A_864 : vector<16xi32> to vector<16xi32>
    %swap3A_866 = vector.shape_cast %add3A_862 : vector<16xi32> to vector<16xi32>
    tpu.vector_store %arg7[%swap3A_863], %swap3A_866 {strides = array<i32>} : memref<2048xi32, #tpu.memory_space<vmem>>, vector<16xi32>,
    %add3A_867 = arith.constant 33280 : i32
    %add3A_868 = vector.broadcast %add3A_867 : i32 to vector<16xi32>
    %add3A_869 = arith.addi %get3A_838, %add3A_868 : vector<16xi32>
    %swap3A_870 = arith.constant 1600 : index
    %swap3A_871 = tpu.vector_load %arg7[%swap3A_870] {strides = array<i32>} : memref<2048xi32, #tpu.memory_space<vmem>>, vector<16xi32>,
    %swap3A_872 = vector.shape_cast %swap3A_871 : vector<16xi32> to vector<16xi32>
    %swap3A_873 = vector.shape_cast %add3A_869 : vector<16xi32> to vector<16xi32>
    tpu.vector_store %arg7[%swap3A_870], %swap3A_873 {strides = array<i32>} : memref<2048xi32, #tpu.memory_space<vmem>>, vector<16xi32>,
    %add3A_874 = arith.constant 33408 : i32
    %add3A_875 = vector.broadcast %add3A_874 : i32 to vector<16xi32>
    %add3A_876 = arith.addi %get3A_838, %add3A_875 : vector<16xi32>
    %swap3A_877 = arith.constant 1728 : index
    %swap3A_878 = tpu.vector_load %arg7[%swap3A_877] {strides = array<i32>} : memref<2048xi32, #tpu.memory_space<vmem>>, vector<16xi32>,
    %swap3A_879 = vector.shape_cast %swap3A_878 : vector<16xi32> to vector<16xi32>
    %swap3A_880 = vector.shape_cast %add3A_876 : vector<16xi32> to vector<16xi32>
    tpu.vector_store %arg7[%swap3A_877], %swap3A_880 {strides = array<i32>} : memref<2048xi32, #tpu.memory_space<vmem>>, vector<16xi32>,
    %add3A_881 = arith.constant 33536 : i32
    %add3A_882 = vector.broadcast %add3A_881 : i32 to vector<16xi32>
    %add3A_883 = arith.addi %get3A_838, %add3A_882 : vector<16xi32>
    %swap3A_884 = arith.constant 1856 : index
    %swap3A_885 = tpu.vector_load %arg7[%swap3A_884] {strides = array<i32>} : memref<2048xi32, #tpu.memory_space<vmem>>, vector<16xi32>,
    %swap3A_886 = vector.shape_cast %swap3A_885 : vector<16xi32> to vector<16xi32>
    %swap3A_887 = vector.shape_cast %add3A_883 : vector<16xi32> to vector<16xi32>
    tpu.vector_store %arg7[%swap3A_884], %swap3A_887 {strides = array<i32>} : memref<2048xi32, #tpu.memory_space<vmem>>, vector<16xi32>,
    %add3A_888 = arith.constant 33664 : i32
    %add3A_889 = vector.broadcast %add3A_888 : i32 to vector<16xi32>
    %add3A_890 = arith.addi %get3A_838, %add3A_889 : vector<16xi32>
    %swap3A_891 = arith.constant 1984 : index
    %swap3A_892 = tpu.vector_load %arg7[%swap3A_891] {strides = array<i32>} : memref<2048xi32, #tpu.memory_space<vmem>>, vector<16xi32>,
    %swap3A_893 = vector.shape_cast %swap3A_892 : vector<16xi32> to vector<16xi32>
    %swap3A_894 = vector.shape_cast %add3A_890 : vector<16xi32> to vector<16xi32>
    tpu.vector_store %arg7[%swap3A_891], %swap3A_894 {strides = array<i32>} : memref<2048xi32, #tpu.memory_space<vmem>>, vector<16xi32>,
    %get3A_895 = arith.constant 80 : index
    %get3A_896 = tpu.vector_load %arg6[%get3A_895] {strides = array<i32>} : memref<128xi32, #tpu.memory_space<vmem>>, vector<16xi32>,
    %get3A_897 = vector.shape_cast %get3A_896 : vector<16xi32> to vector<16xi32>
    %add3A_898 = arith.constant 32768 : i32
    %add3A_899 = vector.broadcast %add3A_898 : i32 to vector<16xi32>
    %add3A_900 = arith.addi %get3A_897, %add3A_899 : vector<16xi32>
    %swap3A_901 = arith.constant 1104 : index
    %swap3A_902 = tpu.vector_load %arg7[%swap3A_901] {strides = array<i32>} : memref<2048xi32, #tpu.memory_space<vmem>>, vector<16xi32>,
    %swap3A_903 = vector.shape_cast %swap3A_902 : vector<16xi32> to vector<16xi32>
    %swap3A_904 = vector.shape_cast %add3A_900 : vector<16xi32> to vector<16xi32>
    tpu.vector_store %arg7[%swap3A_901], %swap3A_904 {strides = array<i32>} : memref<2048xi32, #tpu.memory_space<vmem>>, vector<16xi32>,
    %add3A_905 = arith.constant 32896 : i32
    %add3A_906 = vector.broadcast %add3A_905 : i32 to vector<16xi32>
    %add3A_907 = arith.addi %get3A_897, %add3A_906 : vector<16xi32>
    %swap3A_908 = arith.constant 1232 : index
    %swap3A_909 = tpu.vector_load %arg7[%swap3A_908] {strides = array<i32>} : memref<2048xi32, #tpu.memory_space<vmem>>, vector<16xi32>,
    %swap3A_910 = vector.shape_cast %swap3A_909 : vector<16xi32> to vector<16xi32>
    %swap3A_911 = vector.shape_cast %add3A_907 : vector<16xi32> to vector<16xi32>
    tpu.vector_store %arg7[%swap3A_908], %swap3A_911 {strides = array<i32>} : memref<2048xi32, #tpu.memory_space<vmem>>, vector<16xi32>,
    %add3A_912 = arith.constant 33024 : i32
    %add3A_913 = vector.broadcast %add3A_912 : i32 to vector<16xi32>
    %add3A_914 = arith.addi %get3A_897, %add3A_913 : vector<16xi32>
    %swap3A_915 = arith.constant 1360 : index
    %swap3A_916 = tpu.vector_load %arg7[%swap3A_915] {strides = array<i32>} : memref<2048xi32, #tpu.memory_space<vmem>>, vector<16xi32>,
    %swap3A_917 = vector.shape_cast %swap3A_916 : vector<16xi32> to vector<16xi32>
    %swap3A_918 = vector.shape_cast %add3A_914 : vector<16xi32> to vector<16xi32>
    tpu.vector_store %arg7[%swap3A_915], %swap3A_918 {strides = array<i32>} : memref<2048xi32, #tpu.memory_space<vmem>>, vector<16xi32>,
    %add3A_919 = arith.constant 33152 : i32
    %add3A_920 = vector.broadcast %add3A_919 : i32 to vector<16xi32>
    %add3A_921 = arith.addi %get3A_897, %add3A_920 : vector<16xi32>
    %swap3A_922 = arith.constant 1488 : index
    %swap3A_923 = tpu.vector_load %arg7[%swap3A_922] {strides = array<i32>} : memref<2048xi32, #tpu.memory_space<vmem>>, vector<16xi32>,
    %swap3A_924 = vector.shape_cast %swap3A_923 : vector<16xi32> to vector<16xi32>
    %swap3A_925 = vector.shape_cast %add3A_921 : vector<16xi32> to vector<16xi32>
    tpu.vector_store %arg7[%swap3A_922], %swap3A_925 {strides = array<i32>} : memref<2048xi32, #tpu.memory_space<vmem>>, vector<16xi32>,
    %add3A_926 = arith.constant 33280 : i32
    %add3A_927 = vector.broadcast %add3A_926 : i32 to vector<16xi32>
    %add3A_928 = arith.addi %get3A_897, %add3A_927 : vector<16xi32>
    %swap3A_929 = arith.constant 1616 : index
    %swap3A_930 = tpu.vector_load %arg7[%swap3A_929] {strides = array<i32>} : memref<2048xi32, #tpu.memory_space<vmem>>, vector<16xi32>,
    %swap3A_931 = vector.shape_cast %swap3A_930 : vector<16xi32> to vector<16xi32>
    %swap3A_932 = vector.shape_cast %add3A_928 : vector<16xi32> to vector<16xi32>
    tpu.vector_store %arg7[%swap3A_929], %swap3A_932 {strides = array<i32>} : memref<2048xi32, #tpu.memory_space<vmem>>, vector<16xi32>,
    %add3A_933 = arith.constant 33408 : i32
    %add3A_934 = vector.broadcast %add3A_933 : i32 to vector<16xi32>
    %add3A_935 = arith.addi %get3A_897, %add3A_934 : vector<16xi32>
    %swap3A_936 = arith.constant 1744 : index
    %swap3A_937 = tpu.vector_load %arg7[%swap3A_936] {strides = array<i32>} : memref<2048xi32, #tpu.memory_space<vmem>>, vector<16xi32>,
    %swap3A_938 = vector.shape_cast %swap3A_937 : vector<16xi32> to vector<16xi32>
    %swap3A_939 = vector.shape_cast %add3A_935 : vector<16xi32> to vector<16xi32>
    tpu.vector_store %arg7[%swap3A_936], %swap3A_939 {strides = array<i32>} : memref<2048xi32, #tpu.memory_space<vmem>>, vector<16xi32>,
    %add3A_940 = arith.constant 33536 : i32
    %add3A_941 = vector.broadcast %add3A_940 : i32 to vector<16xi32>
    %add3A_942 = arith.addi %get3A_897, %add3A_941 : vector<16xi32>
    %swap3A_943 = arith.constant 1872 : index
    %swap3A_944 = tpu.vector_load %arg7[%swap3A_943] {strides = array<i32>} : memref<2048xi32, #tpu.memory_space<vmem>>, vector<16xi32>,
    %swap3A_945 = vector.shape_cast %swap3A_944 : vector<16xi32> to vector<16xi32>
    %swap3A_946 = vector.shape_cast %add3A_942 : vector<16xi32> to vector<16xi32>
    tpu.vector_store %arg7[%swap3A_943], %swap3A_946 {strides = array<i32>} : memref<2048xi32, #tpu.memory_space<vmem>>, vector<16xi32>,
    %add3A_947 = arith.constant 33664 : i32
    %add3A_948 = vector.broadcast %add3A_947 : i32 to vector<16xi32>
    %add3A_949 = arith.addi %get3A_897, %add3A_948 : vector<16xi32>
    %swap3A_950 = arith.constant 2000 : index
    %swap3A_951 = tpu.vector_load %arg7[%swap3A_950] {strides = array<i32>} : memref<2048xi32, #tpu.memory_space<vmem>>, vector<16xi32>,
    %swap3A_952 = vector.shape_cast %swap3A_951 : vector<16xi32> to vector<16xi32>
    %swap3A_953 = vector.shape_cast %add3A_949 : vector<16xi32> to vector<16xi32>
    tpu.vector_store %arg7[%swap3A_950], %swap3A_953 {strides = array<i32>} : memref<2048xi32, #tpu.memory_space<vmem>>, vector<16xi32>,
    %get3A_954 = arith.constant 96 : index
    %get3A_955 = tpu.vector_load %arg6[%get3A_954] {strides = array<i32>} : memref<128xi32, #tpu.memory_space<vmem>>, vector<16xi32>,
    %get3A_956 = vector.shape_cast %get3A_955 : vector<16xi32> to vector<16xi32>
    %add3A_957 = arith.constant 32768 : i32
    %add3A_958 = vector.broadcast %add3A_957 : i32 to vector<16xi32>
    %add3A_959 = arith.addi %get3A_956, %add3A_958 : vector<16xi32>
    %swap3A_960 = arith.constant 1120 : index
    %swap3A_961 = tpu.vector_load %arg7[%swap3A_960] {strides = array<i32>} : memref<2048xi32, #tpu.memory_space<vmem>>, vector<16xi32>,
    %swap3A_962 = vector.shape_cast %swap3A_961 : vector<16xi32> to vector<16xi32>
    %swap3A_963 = vector.shape_cast %add3A_959 : vector<16xi32> to vector<16xi32>
    tpu.vector_store %arg7[%swap3A_960], %swap3A_963 {strides = array<i32>} : memref<2048xi32, #tpu.memory_space<vmem>>, vector<16xi32>,
    %add3A_964 = arith.constant 32896 : i32
    %add3A_965 = vector.broadcast %add3A_964 : i32 to vector<16xi32>
    %add3A_966 = arith.addi %get3A_956, %add3A_965 : vector<16xi32>
    %swap3A_967 = arith.constant 1248 : index
    %swap3A_968 = tpu.vector_load %arg7[%swap3A_967] {strides = array<i32>} : memref<2048xi32, #tpu.memory_space<vmem>>, vector<16xi32>,
    %swap3A_969 = vector.shape_cast %swap3A_968 : vector<16xi32> to vector<16xi32>
    %swap3A_970 = vector.shape_cast %add3A_966 : vector<16xi32> to vector<16xi32>
    tpu.vector_store %arg7[%swap3A_967], %swap3A_970 {strides = array<i32>} : memref<2048xi32, #tpu.memory_space<vmem>>, vector<16xi32>,
    %add3A_971 = arith.constant 33024 : i32
    %add3A_972 = vector.broadcast %add3A_971 : i32 to vector<16xi32>
    %add3A_973 = arith.addi %get3A_956, %add3A_972 : vector<16xi32>
    %swap3A_974 = arith.constant 1376 : index
    %swap3A_975 = tpu.vector_load %arg7[%swap3A_974] {strides = array<i32>} : memref<2048xi32, #tpu.memory_space<vmem>>, vector<16xi32>,
    %swap3A_976 = vector.shape_cast %swap3A_975 : vector<16xi32> to vector<16xi32>
    %swap3A_977 = vector.shape_cast %add3A_973 : vector<16xi32> to vector<16xi32>
    tpu.vector_store %arg7[%swap3A_974], %swap3A_977 {strides = array<i32>} : memref<2048xi32, #tpu.memory_space<vmem>>, vector<16xi32>,
    %add3A_978 = arith.constant 33152 : i32
    %add3A_979 = vector.broadcast %add3A_978 : i32 to vector<16xi32>
    %add3A_980 = arith.addi %get3A_956, %add3A_979 : vector<16xi32>
    %swap3A_981 = arith.constant 1504 : index
    %swap3A_982 = tpu.vector_load %arg7[%swap3A_981] {strides = array<i32>} : memref<2048xi32, #tpu.memory_space<vmem>>, vector<16xi32>,
    %swap3A_983 = vector.shape_cast %swap3A_982 : vector<16xi32> to vector<16xi32>
    %swap3A_984 = vector.shape_cast %add3A_980 : vector<16xi32> to vector<16xi32>
    tpu.vector_store %arg7[%swap3A_981], %swap3A_984 {strides = array<i32>} : memref<2048xi32, #tpu.memory_space<vmem>>, vector<16xi32>,
    %add3A_985 = arith.constant 33280 : i32
    %add3A_986 = vector.broadcast %add3A_985 : i32 to vector<16xi32>
    %add3A_987 = arith.addi %get3A_956, %add3A_986 : vector<16xi32>
    %swap3A_988 = arith.constant 1632 : index
    %swap3A_989 = tpu.vector_load %arg7[%swap3A_988] {strides = array<i32>} : memref<2048xi32, #tpu.memory_space<vmem>>, vector<16xi32>,
    %swap3A_990 = vector.shape_cast %swap3A_989 : vector<16xi32> to vector<16xi32>
    %swap3A_991 = vector.shape_cast %add3A_987 : vector<16xi32> to vector<16xi32>
    tpu.vector_store %arg7[%swap3A_988], %swap3A_991 {strides = array<i32>} : memref<2048xi32, #tpu.memory_space<vmem>>, vector<16xi32>,
    %add3A_992 = arith.constant 33408 : i32
    %add3A_993 = vector.broadcast %add3A_992 : i32 to vector<16xi32>
    %add3A_994 = arith.addi %get3A_956, %add3A_993 : vector<16xi32>
    %swap3A_995 = arith.constant 1760 : index
    %swap3A_996 = tpu.vector_load %arg7[%swap3A_995] {strides = array<i32>} : memref<2048xi32, #tpu.memory_space<vmem>>, vector<16xi32>,
    %swap3A_997 = vector.shape_cast %swap3A_996 : vector<16xi32> to vector<16xi32>
    %swap3A_998 = vector.shape_cast %add3A_994 : vector<16xi32> to vector<16xi32>
    tpu.vector_store %arg7[%swap3A_995], %swap3A_998 {strides = array<i32>} : memref<2048xi32, #tpu.memory_space<vmem>>, vector<16xi32>,
    %add3A_999 = arith.constant 33536 : i32
    %add3A_1000 = vector.broadcast %add3A_999 : i32 to vector<16xi32>
    %add3A_1001 = arith.addi %get3A_956, %add3A_1000 : vector<16xi32>
    %swap3A_1002 = arith.constant 1888 : index
    %swap3A_1003 = tpu.vector_load %arg7[%swap3A_1002] {strides = array<i32>} : memref<2048xi32, #tpu.memory_space<vmem>>, vector<16xi32>,
    %swap3A_1004 = vector.shape_cast %swap3A_1003 : vector<16xi32> to vector<16xi32>
    %swap3A_1005 = vector.shape_cast %add3A_1001 : vector<16xi32> to vector<16xi32>
    tpu.vector_store %arg7[%swap3A_1002], %swap3A_1005 {strides = array<i32>} : memref<2048xi32, #tpu.memory_space<vmem>>, vector<16xi32>,
    %add3A_1006 = arith.constant 33664 : i32
    %add3A_1007 = vector.broadcast %add3A_1006 : i32 to vector<16xi32>
    %add3A_1008 = arith.addi %get3A_956, %add3A_1007 : vector<16xi32>
    %swap3A_1009 = arith.constant 2016 : index
    %swap3A_1010 = tpu.vector_load %arg7[%swap3A_1009] {strides = array<i32>} : memref<2048xi32, #tpu.memory_space<vmem>>, vector<16xi32>,
    %swap3A_1011 = vector.shape_cast %swap3A_1010 : vector<16xi32> to vector<16xi32>
    %swap3A_1012 = vector.shape_cast %add3A_1008 : vector<16xi32> to vector<16xi32>
    tpu.vector_store %arg7[%swap3A_1009], %swap3A_1012 {strides = array<i32>} : memref<2048xi32, #tpu.memory_space<vmem>>, vector<16xi32>,
    %get3A_1013 = arith.constant 112 : index
    %get3A_1014 = tpu.vector_load %arg6[%get3A_1013] {strides = array<i32>} : memref<128xi32, #tpu.memory_space<vmem>>, vector<16xi32>,
    %get3A_1015 = vector.shape_cast %get3A_1014 : vector<16xi32> to vector<16xi32>
    %add3A_1016 = arith.constant 32768 : i32
    %add3A_1017 = vector.broadcast %add3A_1016 : i32 to vector<16xi32>
    %add3A_1018 = arith.addi %get3A_1015, %add3A_1017 : vector<16xi32>
    %swap3A_1019 = arith.constant 1136 : index
    %swap3A_1020 = tpu.vector_load %arg7[%swap3A_1019] {strides = array<i32>} : memref<2048xi32, #tpu.memory_space<vmem>>, vector<16xi32>,
    %swap3A_1021 = vector.shape_cast %swap3A_1020 : vector<16xi32> to vector<16xi32>
    %swap3A_1022 = vector.shape_cast %add3A_1018 : vector<16xi32> to vector<16xi32>
    tpu.vector_store %arg7[%swap3A_1019], %swap3A_1022 {strides = array<i32>} : memref<2048xi32, #tpu.memory_space<vmem>>, vector<16xi32>,
    %add3A_1023 = arith.constant 32896 : i32
    %add3A_1024 = vector.broadcast %add3A_1023 : i32 to vector<16xi32>
    %add3A_1025 = arith.addi %get3A_1015, %add3A_1024 : vector<16xi32>
    %swap3A_1026 = arith.constant 1264 : index
    %swap3A_1027 = tpu.vector_load %arg7[%swap3A_1026] {strides = array<i32>} : memref<2048xi32, #tpu.memory_space<vmem>>, vector<16xi32>,
    %swap3A_1028 = vector.shape_cast %swap3A_1027 : vector<16xi32> to vector<16xi32>
    %swap3A_1029 = vector.shape_cast %add3A_1025 : vector<16xi32> to vector<16xi32>
    tpu.vector_store %arg7[%swap3A_1026], %swap3A_1029 {strides = array<i32>} : memref<2048xi32, #tpu.memory_space<vmem>>, vector<16xi32>,
    %add3A_1030 = arith.constant 33024 : i32
    %add3A_1031 = vector.broadcast %add3A_1030 : i32 to vector<16xi32>
    %add3A_1032 = arith.addi %get3A_1015, %add3A_1031 : vector<16xi32>
    %swap3A_1033 = arith.constant 1392 : index
    %swap3A_1034 = tpu.vector_load %arg7[%swap3A_1033] {strides = array<i32>} : memref<2048xi32, #tpu.memory_space<vmem>>, vector<16xi32>,
    %swap3A_1035 = vector.shape_cast %swap3A_1034 : vector<16xi32> to vector<16xi32>
    %swap3A_1036 = vector.shape_cast %add3A_1032 : vector<16xi32> to vector<16xi32>
    tpu.vector_store %arg7[%swap3A_1033], %swap3A_1036 {strides = array<i32>} : memref<2048xi32, #tpu.memory_space<vmem>>, vector<16xi32>,
    %add3A_1037 = arith.constant 33152 : i32
    %add3A_1038 = vector.broadcast %add3A_1037 : i32 to vector<16xi32>
    %add3A_1039 = arith.addi %get3A_1015, %add3A_1038 : vector<16xi32>
    %swap3A_1040 = arith.constant 1520 : index
    %swap3A_1041 = tpu.vector_load %arg7[%swap3A_1040] {strides = array<i32>} : memref<2048xi32, #tpu.memory_space<vmem>>, vector<16xi32>,
    %swap3A_1042 = vector.shape_cast %swap3A_1041 : vector<16xi32> to vector<16xi32>
    %swap3A_1043 = vector.shape_cast %add3A_1039 : vector<16xi32> to vector<16xi32>
    tpu.vector_store %arg7[%swap3A_1040], %swap3A_1043 {strides = array<i32>} : memref<2048xi32, #tpu.memory_space<vmem>>, vector<16xi32>,
    %add3A_1044 = arith.constant 33280 : i32
    %add3A_1045 = vector.broadcast %add3A_1044 : i32 to vector<16xi32>
    %add3A_1046 = arith.addi %get3A_1015, %add3A_1045 : vector<16xi32>
    %swap3A_1047 = arith.constant 1648 : index
    %swap3A_1048 = tpu.vector_load %arg7[%swap3A_1047] {strides = array<i32>} : memref<2048xi32, #tpu.memory_space<vmem>>, vector<16xi32>,
    %swap3A_1049 = vector.shape_cast %swap3A_1048 : vector<16xi32> to vector<16xi32>
    %swap3A_1050 = vector.shape_cast %add3A_1046 : vector<16xi32> to vector<16xi32>
    tpu.vector_store %arg7[%swap3A_1047], %swap3A_1050 {strides = array<i32>} : memref<2048xi32, #tpu.memory_space<vmem>>, vector<16xi32>,
    %add3A_1051 = arith.constant 33408 : i32
    %add3A_1052 = vector.broadcast %add3A_1051 : i32 to vector<16xi32>
    %add3A_1053 = arith.addi %get3A_1015, %add3A_1052 : vector<16xi32>
    %swap3A_1054 = arith.constant 1776 : index
    %swap3A_1055 = tpu.vector_load %arg7[%swap3A_1054] {strides = array<i32>} : memref<2048xi32, #tpu.memory_space<vmem>>, vector<16xi32>,
    %swap3A_1056 = vector.shape_cast %swap3A_1055 : vector<16xi32> to vector<16xi32>
    %swap3A_1057 = vector.shape_cast %add3A_1053 : vector<16xi32> to vector<16xi32>
    tpu.vector_store %arg7[%swap3A_1054], %swap3A_1057 {strides = array<i32>} : memref<2048xi32, #tpu.memory_space<vmem>>, vector<16xi32>,
    %add3A_1058 = arith.constant 33536 : i32
    %add3A_1059 = vector.broadcast %add3A_1058 : i32 to vector<16xi32>
    %add3A_1060 = arith.addi %get3A_1015, %add3A_1059 : vector<16xi32>
    %swap3A_1061 = arith.constant 1904 : index
    %swap3A_1062 = tpu.vector_load %arg7[%swap3A_1061] {strides = array<i32>} : memref<2048xi32, #tpu.memory_space<vmem>>, vector<16xi32>,
    %swap3A_1063 = vector.shape_cast %swap3A_1062 : vector<16xi32> to vector<16xi32>
    %swap3A_1064 = vector.shape_cast %add3A_1060 : vector<16xi32> to vector<16xi32>
    tpu.vector_store %arg7[%swap3A_1061], %swap3A_1064 {strides = array<i32>} : memref<2048xi32, #tpu.memory_space<vmem>>, vector<16xi32>,
    %add3A_1065 = arith.constant 33664 : i32
    %add3A_1066 = vector.broadcast %add3A_1065 : i32 to vector<16xi32>
    %add3A_1067 = arith.addi %get3A_1015, %add3A_1066 : vector<16xi32>
    %swap3A_1068 = arith.constant 2032 : index
    %swap3A_1069 = tpu.vector_load %arg7[%swap3A_1068] {strides = array<i32>} : memref<2048xi32, #tpu.memory_space<vmem>>, vector<16xi32>,
    %swap3A_1070 = vector.shape_cast %swap3A_1069 : vector<16xi32> to vector<16xi32>
    %swap3A_1071 = vector.shape_cast %add3A_1067 : vector<16xi32> to vector<16xi32>
    tpu.vector_store %arg7[%swap3A_1068], %swap3A_1071 {strides = array<i32>} : memref<2048xi32, #tpu.memory_space<vmem>>, vector<16xi32>,
    %dma_start3A_1072 = arith.constant 1024 : i32
    %dma_start3A_1073 = tpu.memref_slice %arg8[%dma_start3A_1072] : memref<2048xf32, #tpu.memory_space<vmem>> -> memref<1024xf32, #tpu.memory_space<vmem>>
    %dma_start3A_1074 = arith.constant 1024 : i32
    %dma_start3A_1075 = tpu.memref_slice %arg7[%dma_start3A_1074] : memref<2048xi32, #tpu.memory_space<vmem>> -> memref<1024xi32, #tpu.memory_space<vmem>>
    %dma_start3A_1076 = arith.constant 0 : i32
    %dma_start3A_1077 = tpu.memref_slice %arg2[%dma_start3A_1076] : memref<65536000xf32, #tpu.memory_space<hbm>> -> memref<65536000xf32, #tpu.memory_space<hbm>>
    tpu.enqueue_indirect_dma source(%dma_start3A_1077 : memref<65536000xf32, #tpu.memory_space<hbm>>) target(%dma_start3A_1073 : memref<1024xf32, #tpu.memory_space<vmem>>) offsets(%dma_start3A_1075 : memref<1024xi32, #tpu.memory_space<vmem>>) semaphore(%arg10 : memref<!tpu.dma_semaphore, #tpu.memory_space<semaphore_mem>>)
    %dma_wait3A = arith.constant 0 : i32
    %dma_wait3A_1078 = tpu.memref_slice %arg8[%dma_wait3A] : memref<2048xf32, #tpu.memory_space<vmem>> -> memref<1024xf32, #tpu.memory_space<vmem>>
    %dma_wait3A_1079 = arith.constant 0 : i32
    %dma_wait3A_1080 = tpu.memref_slice %arg7[%dma_wait3A_1079] : memref<2048xi32, #tpu.memory_space<vmem>> -> memref<1024xi32, #tpu.memory_space<vmem>>
    %dma_wait3A_1081 = arith.constant 0 : i32
    %dma_wait3A_1082 = tpu.memref_slice %arg2[%dma_wait3A_1081] : memref<65536000xf32, #tpu.memory_space<hbm>> -> memref<65536000xf32, #tpu.memory_space<hbm>>
    tpu.wait_indirect_dma semaphore(%arg9 : memref<!tpu.dma_semaphore, #tpu.memory_space<semaphore_mem>>) src(%dma_wait3A_1082 : memref<65536000xf32, #tpu.memory_space<hbm>>) dst(%dma_wait3A_1078 : memref<1024xf32, #tpu.memory_space<vmem>>)
    %mul3A_1083 = arith.constant 1024 : i32
    %mul3A_1084 = arith.muli %add3A, %mul3A_1083 : i32
    %dma_start3A_1085 = arith.constant 0 : i32
    %dma_start3A_1086 = tpu.memref_slice %arg8[%dma_start3A_1085] : memref<2048xf32, #tpu.memory_space<vmem>> -> memref<1024xf32, #tpu.memory_space<vmem>>
    %dma_start3A_1087 = tpu.memref_slice %arg4[%mul3A_1084] : memref<65536xf32, #tpu.memory_space<hbm>> -> memref<1024xf32, #tpu.memory_space<hbm>>
    %dma_start3A_1088 = tpu.memref_slice %arg4[%mul3A_1084] : memref<65536xf32, #tpu.memory_space<hbm>> -> memref<1024xf32, #tpu.memory_space<hbm>>
    %dma_start3A_1089 = arith.constant 0 : i32
    %dma_start3A_1090 = tpu.memref_slice %arg8[%dma_start3A_1089] : memref<2048xf32, #tpu.memory_space<vmem>> -> memref<1024xf32, #tpu.memory_space<vmem>>
    tpu.enqueue_dma source(%dma_start3A_1090 : memref<1024xf32, #tpu.memory_space<vmem>>) target(%dma_start3A_1088 : memref<1024xf32, #tpu.memory_space<hbm>>) target_semaphore(%arg11 : memref<!tpu.dma_semaphore, #tpu.memory_space<semaphore_mem>>)
    %dma_wait3A_1091 = arith.constant 1024 : i32
    %dma_wait3A_1092 = tpu.memref_slice %arg8[%dma_wait3A_1091] : memref<2048xf32, #tpu.memory_space<vmem>> -> memref<1024xf32, #tpu.memory_space<vmem>>
    %dma_wait3A_1093 = arith.constant 1024 : i32
    %dma_wait3A_1094 = tpu.memref_slice %arg7[%dma_wait3A_1093] : memref<2048xi32, #tpu.memory_space<vmem>> -> memref<1024xi32, #tpu.memory_space<vmem>>
    %dma_wait3A_1095 = arith.constant 0 : i32
    %dma_wait3A_1096 = tpu.memref_slice %arg2[%dma_wait3A_1095] : memref<65536000xf32, #tpu.memory_space<hbm>> -> memref<65536000xf32, #tpu.memory_space<hbm>>
    tpu.wait_indirect_dma semaphore(%arg10 : memref<!tpu.dma_semaphore, #tpu.memory_space<semaphore_mem>>) src(%dma_wait3A_1096 : memref<65536000xf32, #tpu.memory_space<hbm>>) dst(%dma_wait3A_1092 : memref<1024xf32, #tpu.memory_space<vmem>>)
    %mul3A_1097 = arith.constant 1024 : i32
    %mul3A_1098 = arith.muli %add3A, %mul3A_1097 : i32
    %add3A_1099 = arith.constant 32768 : i32
    %add3A_1100 = arith.addi %add3A_1099, %mul3A_1098 : i32
    %dma_start3A_1101 = arith.constant 1024 : i32
    %dma_start3A_1102 = tpu.memref_slice %arg8[%dma_start3A_1101] : memref<2048xf32, #tpu.memory_space<vmem>> -> memref<1024xf32, #tpu.memory_space<vmem>>
    %dma_start3A_1103 = tpu.memref_slice %arg4[%add3A_1100] : memref<65536xf32, #tpu.memory_space<hbm>> -> memref<1024xf32, #tpu.memory_space<hbm>>
    %dma_start3A_1104 = tpu.memref_slice %arg4[%add3A_1100] : memref<65536xf32, #tpu.memory_space<hbm>> -> memref<1024xf32, #tpu.memory_space<hbm>>
    %dma_start3A_1105 = arith.constant 1024 : i32
    %dma_start3A_1106 = tpu.memref_slice %arg8[%dma_start3A_1105] : memref<2048xf32, #tpu.memory_space<vmem>> -> memref<1024xf32, #tpu.memory_space<vmem>>
    tpu.enqueue_dma source(%dma_start3A_1106 : memref<1024xf32, #tpu.memory_space<vmem>>) target(%dma_start3A_1104 : memref<1024xf32, #tpu.memory_space<hbm>>) target_semaphore(%arg11 : memref<!tpu.dma_semaphore, #tpu.memory_space<semaphore_mem>>)
    %dma_wait3A_1107 = arith.constant 0 : i32
    %dma_wait3A_1108 = tpu.memref_slice %arg8[%dma_wait3A_1107] : memref<2048xf32, #tpu.memory_space<vmem>> -> memref<1024xf32, #tpu.memory_space<vmem>>
    %dma_wait3A_1109 = tpu.memref_slice %arg4[%mul3A_1084] : memref<65536xf32, #tpu.memory_space<hbm>> -> memref<1024xf32, #tpu.memory_space<hbm>>
    %dma_wait3A_1110 = tpu.memref_slice %arg4[%mul3A_1084] : memref<65536xf32, #tpu.memory_space<hbm>> -> memref<1024xf32, #tpu.memory_space<hbm>>
    %dma_wait3A_1111 = arith.constant 0 : i32
    %dma_wait3A_1112 = tpu.memref_slice %arg8[%dma_wait3A_1111] : memref<2048xf32, #tpu.memory_space<vmem>> -> memref<1024xf32, #tpu.memory_space<vmem>>
    tpu.wait_dma2 semaphore(%arg11 : memref<!tpu.dma_semaphore, #tpu.memory_space<semaphore_mem>>) src(%dma_wait3A_1112 : memref<1024xf32, #tpu.memory_space<vmem>>) dst(%dma_wait3A_1110 : memref<1024xf32, #tpu.memory_space<hbm>>)
    %dma_wait3A_1113 = arith.constant 1024 : i32
    %dma_wait3A_1114 = tpu.memref_slice %arg8[%dma_wait3A_1113] : memref<2048xf32, #tpu.memory_space<vmem>> -> memref<1024xf32, #tpu.memory_space<vmem>>
    %dma_wait3A_1115 = tpu.memref_slice %arg4[%add3A_1100] : memref<65536xf32, #tpu.memory_space<hbm>> -> memref<1024xf32, #tpu.memory_space<hbm>>
    %dma_wait3A_1116 = tpu.memref_slice %arg4[%add3A_1100] : memref<65536xf32, #tpu.memory_space<hbm>> -> memref<1024xf32, #tpu.memory_space<hbm>>
    %dma_wait3A_1117 = arith.constant 1024 : i32
    %dma_wait3A_1118 = tpu.memref_slice %arg8[%dma_wait3A_1117] : memref<2048xf32, #tpu.memory_space<vmem>> -> memref<1024xf32, #tpu.memory_space<vmem>>
    tpu.wait_dma2 semaphore(%arg11 : memref<!tpu.dma_semaphore, #tpu.memory_space<semaphore_mem>>) src(%dma_wait3A_1118 : memref<1024xf32, #tpu.memory_space<vmem>>) dst(%dma_wait3A_1116 : memref<1024xf32, #tpu.memory_space<hbm>>)
    return
  }
}

</mosaic_0001>

<sc_bundles>
// kernel: kernel.3.cloned.1.call-start
scs
__scs_entry_jumppad:
0x0: {  	(pc) =	sbr.rel $0x88, $3  }
0x1: {  	(tag) =	ssettag $0x0;
	lr =	simm.s32 $0x1  }
0x2: {  	[smem:$0x3F9F] =	sst lr;
	_ =	strace $0xD0000000  }
0x3: {  	_ = 	snop  }
0x4: {  	_ = 	snop  }
0x5: {  	_ = 	snop  }
0x6: {  	_ = 	snop  }
0x7: {  	_ = 	snop  }
__scs_overlays_trampoline_lowered:
0x8: {  	[smem:$0x3FAE] =	sst s0  }
0x9: {  	[smem:$0x3FAF] =	sst s1  }
0xa: {  	[smem:$0x3FB0] =	sst s2  }
0xb: {  	[smem:$0x3FB1] =	sst s3  }
0xc: {  	[smem:$0x3FB2] =	sst s4  }
0xd: {  	[smem:$0x3FB3] =	sst s5  }
0xe: {  	[smem:$0x3FB4] =	sst s6  }
0xf: {  	[smem:$0x3FB5] =	sst s7  }
0x10: {  	[smem:$0x3FB6] =	sst s8  }
0x11: {  	[smem:$0x3FB7] =	sst s9;
	s0 =	simm.s32 @!p0 $0x0  }
0x12: {  	s1 =	sld [smem:$0x3F9D];
	s0 =	simm.s32 @p0 $0x1  }
0x13: {  	[smem:$0x3FB8] =	sst s0;
	s0 =	simm.s32 @!p1 $0x0  }
0x14: {  	s2 =	sld [smem:$0x3F9C];
	s0 =	simm.s32 @p1 $0x1  }
0x15: {  	[smem:$0x3FB9] =	sst s0;
	s0 =	simm.s32 @!p2 $0x0  }
0x16: {  	s3 =	sld [smem:$0x3FDB];
	s0 =	simm.s32 @p2 $0x1  }
0x17: {  	s4 =	simm.s32 $0x1BF5;
	[smem:$0x3FBB] =	sst s0  }
0x18: {  	s0 =	sld [smem:$0x3F9E];
	_ =	swait.ge [sflag:s4], $0x0  }
0x19: {  	s7 =	sld [smem:$0x3F9F]  }
0x1a: {  	s8 =	sadd.s32 $0xFFFFE003, lr  }
0x1b: {  	s9 =	sadd.s32 $0xFFFFFEF7, lr;
	s5 =	simm.s32 $0xFFFFFFFF;
	p2 =	slt.u32 s8, $0xFFFFF086  }
0x1c: {  	p1 =	slt.u32 s9, $0xF7A;
	s5 =	simm.s32 @!p2 $0x0  }
0x1d: {  	s5 =	simm.s32 @p1 $0x1;
	p0 =	seq.s32 s7, s2  }
0x1e: {  	s7 =	smul.u32 @!p0 $0xF7A, s2;
	p2 =	seq.s32 @!p0 s5, $0x0  }
0x1f: {  	s9 =	smul.u32 $0xF7A, s1;
	s8 =	simm.s32 @!p0 $0x1BF5;
	p2 =	por !p2, p0  }
0x20: {  	[sflag:s8] =	ssyncset.s32 @!p0 $0xFFFFF086;
	s6 =	sadd.s32 @!p0 s3, s7;
	s7 =	simm.s32 @!p0 $0x108  }
0x21: {  	s3 =	sadd.s32 s3, s9;
	s6 =	sadd.s32 @!p0 $0x88, s6;
	s7 =	simm.s32 @p2 $0x1082  }
0x22: {  	[simem:s7], [sflag:s8] =	dma.local @!p0 [hbm:s6], $0xF7A  }
0x23: {  	s9 =	sor.u32 $0xD0000000, s2;
	s6 =	simm.s32 $0x108;
	_ =	swait.ge @!p0 [sflag:s8], $0x0  }
0x24: {  	s3 =	sadd.s32 $0x88, s3;
	s6 =	simm.s32 @!p1 $0x1082;
	[sflag:s4] =	ssyncset.s32 $0xFFFFF086  }
0x25: {  	[simem:s6], [sflag:s4] =	dma.local [hbm:s3], $0xF7A  }
0x26: {  	[smem:$0x3F9F] =	sst s1;
	(tag) =	ssettag s2;
	_ =	strace s9  }
0x27: {  	s1 =	sld [smem:$0x3FAF]  }
0x28: {  	s2 =	sld [smem:$0x3FB0]  }
0x29: {  	s4 =	sld [smem:$0x3FB2]  }
0x2a: {  	p0 =	seq.s32 s5, $0x0;
	s5 =	sld [smem:$0x3FB3]  }
0x2b: {  	s6 =	sld [smem:$0x3FB4]  }
0x2c: {  	s7 =	sld [smem:$0x3FB5]  }
0x2d: {  	s3 =	simm.s32 $0x108;
	s8 =	sld [smem:$0x3FB6]  }
0x2e: {  	s3 =	simm.s32 @!p0 $0x1082;
	s9 =	sld [smem:$0x3FB7]  }
0x2f: {  	lr =	sadd.s32 s0, s3;
	s0 =	sld [smem:$0x3FAE]  }
0x30: {  	s3 =	sld [smem:$0x3FB1]  }
0x31: {  	[smem:$0x3FBA] =	sst s10  }
0x32: {  	s10 =	sld [smem:$0x3FB8];
	_ =	sdelay $0x3  }
0x33: {  	p0 =	seq.s32 s10, $0x1;
	s10 =	sld [smem:$0x3FBA];
	_ =	sdelay $0x3  }
0x34: {  	[smem:$0x3FBA] =	sst s10  }
0x35: {  	s10 =	sld [smem:$0x3FB9];
	_ =	sdelay $0x3  }
0x36: {  	p1 =	seq.s32 s10, $0x1;
	s10 =	sld [smem:$0x3FBA];
	_ =	sdelay $0x3  }
0x37: {  	[smem:$0x3FBA] =	sst s10  }
0x38: {  	s10 =	sld [smem:$0x3FBB]  }
0x39: {  	_ = 	snop;
	(pc) =	sbr.ind lr, $3  }
0x3a: {  	_ = 	snop  }
0x3b: {  	_ = 	snop  }
0x3c: {  	p2 =	seq.s32 s10, $0x1;
	s10 =	sld [smem:$0x3FBA]  }
0x3d: {  	_ =	shalt  }
0x3e: {  	_ =	shalt  }
0x3f: {  	_ =	shalt  }
0x40: {  	_ =	shalt  }
0x41: {  	_ =	shalt  }
0x42: {  	_ =	shalt  }
0x43: {  	_ =	shalt  }
0x44: {  	_ =	shalt  }
0x45: {  	_ =	shalt  }
0x46: {  	_ =	shalt  }
0x47: {  	_ =	shalt  }
0x48: {  	_ =	shalt  }
0x49: {  	_ =	shalt  }
0x4a: {  	_ =	shalt  }
0x4b: {  	_ =	shalt  }
0x4c: {  	_ =	shalt  }
0x4d: {  	_ =	shalt  }
0x4e: {  	_ =	shalt  }
0x4f: {  	_ =	shalt  }
0x50: {  	_ =	shalt  }
0x51: {  	_ =	shalt  }
0x52: {  	_ =	shalt  }
0x53: {  	_ =	shalt  }
0x54: {  	_ =	shalt  }
0x55: {  	_ =	shalt  }
0x56: {  	_ =	shalt  }
0x57: {  	_ =	shalt  }
0x58: {  	_ =	shalt  }
0x59: {  	_ =	shalt  }
0x5a: {  	_ =	shalt  }
0x5b: {  	_ =	shalt  }
0x5c: {  	_ =	shalt  }
0x5d: {  	_ =	shalt  }
0x5e: {  	_ =	shalt  }
0x5f: {  	_ =	shalt  }
0x60: {  	_ =	shalt  }
0x61: {  	_ =	shalt  }
0x62: {  	_ =	shalt  }
0x63: {  	_ =	shalt  }
0x64: {  	_ =	shalt  }
0x65: {  	_ =	shalt  }
0x66: {  	_ =	shalt  }
0x67: {  	_ =	shalt  }
0x68: {  	_ =	shalt  }
0x69: {  	_ =	shalt  }
0x6a: {  	_ =	shalt  }
0x6b: {  	_ =	shalt  }
0x6c: {  	_ =	shalt  }
0x6d: {  	_ =	shalt  }
0x6e: {  	_ =	shalt  }
0x6f: {  	_ =	shalt  }
0x70: {  	_ =	shalt  }
0x71: {  	_ =	shalt  }
0x72: {  	_ =	shalt  }
0x73: {  	_ =	shalt  }
0x74: {  	_ =	shalt  }
0x75: {  	_ =	shalt  }
0x76: {  	_ =	shalt  }
0x77: {  	_ =	shalt  }
0x78: {  	_ =	shalt  }
0x79: {  	_ =	shalt  }
0x7a: {  	_ =	shalt  }
0x7b: {  	_ =	shalt  }
0x7c: {  	_ =	shalt  }
0x7d: {  	_ =	shalt  }
0x7e: {  	_ =	shalt  }
0x7f: {  	_ =	shalt  }
0x80: {  	_ =	shalt  }
0x81: {  	_ =	shalt  }
0x82: {  	_ =	shalt  }
0x83: {  	_ =	shalt  }
0x84: {  	_ =	shalt  }
0x85: {  	_ =	shalt  }
0x86: {  	_ =	shalt  }
0x87: {  	_ =	shalt  }
.Lfunc_end0:
.L_simem_size_0:
called_computation_lowered:
.L_overlay_start_0:
0x88: {  	s2 =	sld [smem:$0x3FD9]  }
0x89: {  	s3 =	sld [smem:$0x3FFE];
	_ =	sdelay $0x1  }
0x8a: {  	s1 =	srdreg.scid  }
0x8b: {  	s0 =	sand.u32 $0x1, s1  }
0x8c: {  	s18 =	sshll.u32 s0, $0xA;
	s2 =	sadd.s32 s3, s2  }
0x8d: {  	s2 =	sadd.s32 s2, s18  }
0x8e: {  	[smem:$0x3FC6] =	sst s2  }
0x8f: {  	_ = 	snop  }
0x90: {  	s2 =	sld [smem:$0x3FC9]  }
0x91: {  	s19 =	sld [smem:$0x3FC8]  }
0x92: {  	s4 =	sld [smem:$0x3FD0];
	(tm) =	ssettm $0x1  }
0x93: {  	s5 =	sld [smem:$0x3FFB];
	_ =	sdelay $0x3  }
0x94: {  	_ =	strace s5  }
0x95: {  	s5 =	sld [smem:$0x3FFC];
	_ =	sdelay $0x3  }
0x96: {  	_ =	strace s5  }
0x97: {  	s5 =	sld [smem:$0x3FFD];
	_ =	sdelay $0x3  }
0x98: {  	_ =	strace s5  }
0x99: {  	_ =	strace $0x8FFFFFFF  }
0x9a: {  	s20 =	sld [smem:$0x3FDB];
	_ =	sdelay $0x1  }
0x9b: {  	s6 =	simm.s32 $_scs_section_size  }
0x9c: {  	s7 =	simm.s32 $_size__tile_overlayer_lowered;
	s8 =	simm.s32 $_tile_overlayer_lowered  }
0x9d: {  	s23 =	simm.s32 $0x1BFF;
	s22 =	sshll.u32 s8, $0x1;
	s5 =	sadd.s32 s6, s20  }
0x9e: {  	s9 =	simm.s32 $0x0;
	s21 =	sshll.u32 s7, $0x1;
	s7 =	sadd.s32 s22, s5  }
0x9f: {  	[timem:s9], [sflag:s23] =	dma.local [hbm:s7], s21  }
0xa0: {  	_ =	swait.ge [sflag:s23], s21  }
0xa1: {  	s6 =	ssub.s32 $0x0, s21;
	[sflag:s23] =	ssyncset.done $0x0  }
0xa2: {  	[sflag:s23] =	ssyncadd.s32 s6;
	_ =	sdelay $0x1  }
0xa3: {  	s24 =	simm.s32 $0x1B8B  }
0xa4: {  	_ =	swait.ge [sflag:s24], $0x1  }
0xa5: {  	[sflag:s24] =	ssyncset.done $0x0  }
0xa6: {  	s25 =	simm.s32 $0x1B8E;
	[sflag:s24] =	ssyncadd.s32 $0xFFFFFFFF  }
0xa7: {  	s26 =	simm.s32 $execute0_lowered;
	[smem:$0x3FD2] =	sst s25  }
0xa8: {  	s6 =	sshll.u32 s26, $0x1;
	_ =	strace $0x80000046;
	[dreg:$0x1] =	wrdreg $0xFFFFFFFF  }
0xa9: {  	s28 =	simm.s32 $_size_execute0_lowered;
	s5 =	sadd.s32 s5, s6;
	[dreg:$0x0] =	wrdreg $0x0  }
0xaa: {  	s6 =	sshll.u32 s28, $0x1;
	[dreg:$0x2] =	wrdreg s5  }
0xab: {  	[dreg:$0x3] =	wrdreg s6  }
0xac: {  	[dreg:$0x4] =	wrdreg $0xC0  }
0xad: {  	_ =	task [dreg:s9], $0x5FFFF  }
0xae: {  	[dreg:$0x1] =	wrdreg $0xFFFFFFFF  }
0xaf: {  	[dreg:$0x0] =	wrdreg $0x60  }
0xb0: {  	[dreg:$0x2] =	wrdreg s2  }
0xb1: {  	[dreg:$0x3] =	wrdreg s19  }
0xb2: {  	[dreg:$0x4] =	wrdreg s4  }
0xb3: {  	[dreg:$0x5] =	wrdreg $0x9  }
0xb4: {  	_ =	task.clear_ibuf [dreg:s9], $0x6FFFF;
	_ =	strace $0x90000046  }
0xb5: {  	s29 =	simm.s32 $0x9;
	_ =	strace $0x80000048  }
0xb6: {  	_ =	swait.ge [sflag:s29], $0x1  }
0xb7: {  	[sflag:s29] =	ssyncadd.s32 $0xFFFFFFFF  }
0xb8: {  	_ =	strace $0x90000048  }
0xb9: {  	_ =	sfence  }
0xba: {  	s30 =	sld [smem:$0x0];
	_ =	sdelay $0x2  }
0xbb: {  	s31 =	sshll.u32 s1, $0xD;
	s1 =	sshrl.u32 s1, $0x2  }
0xbc: {  	s3 =	sand.u32 $0x4000, s31;
	s1 =	sadd.s32 s1, s30  }
0xbd: {  	s0 =	sor.u32 s3, s0;
	s1 =	sshll.u32 s1, $0x11  }
0xbe: {  	s0 =	sor.u32 s1, s0  }
0xbf: {  	s0 =	sadd.s32 $0x8F2B, s0  }
0xc0: {  	[sflag:s0] =	ssyncadd.remote.s32 $0x1  }
0xc1: {  	_ =	sfence.sel $0xFFFF  }
0xc2: {  	[dreg:$0x0] =	wrdreg $0xFFFFFFFF;
	(pc) =	sbr.abs _section_cstart, $3  }
0xc3: {  	[dreg:$0x1] =	wrdreg $0xFFFFFFFF  }
0xc4: {  	_ =	task.clear_ibuf [dreg:s9], $0x2FFFF;
	_ =	strace $0x9FFFFFFF  }
0xc5: {  	(tm) =	ssettm $0x7FFFFFFF  }
tec
execute0_lowered:
.L_overlay_start_1:
0x0: {  	(tag) =	ssettag $0x1  }
0x1: {  	s1 =	rddreg [dreg:$0x0]  }
0x2: {  	s4 =	rddreg [dreg:$0x1]  }
0x3: {  	s5 =	rddreg [dreg:$0x2]  }
0x4: {  	s0 =	rddreg [dreg:$0x3];
	s6 =	srdreg.scid  }
0x5: {  	s3 =	simm.s32 $0x0;
	s2 =	stileid.u32;
	s13 =	simm.s32 $0xD00  }
0x6: {  	s14 =	simm.s32 $0x1;
	s15 =	simm.s32 $0x2;
	s16 =	simm.s32 $0x3  }
0x7: {  	s6 =	sand.u32 $0x1, s6;
	[smem:$0x7FF] =	sst s3;
	s8 =	sshll.u32 s2, $0x1  }
0x8: {  	s7 =	ssub.s32 $0x2, s6;
	_ =	strace $0x80000047;
	s6 =	sor.u32 s6, s8  }
0x9: {  	s9 =	sshrl.u32 s7, $0x1;
	s8 =	sshll.u32 s6, $0x4;
	s26 =	sshll.u32 s6, $0xA  }
0xa: {  	v0 =	vlaneseq.u32;
	s6 =	sshll.u32 s6, $0x7;
	s7 =	ssub.s32 s7, s9;
	s4 =	sadd.s32 s4, s8  }
0xb: {  	v9 =	vor.u32 $0x80, v0;
	v10 =	vor.u32 $0x100, v0;
	v11 =	vor.u32 $0x180, v0;
	s28 =	sor.u32 $0x10, s26;
	s10 =	sor.u32 $0x20, s26;
	s11 =	sor.u32 $0x30, s26  }
0xc: {  	v12 =	vor.u32 $0x200, v0;
	v13 =	vor.u32 $0x280, v0;
	v14 =	vor.u32 $0x300, v0;
	s12 =	sor.u32 $0x40, s26;
	s29 =	sor.u32 $0x50, s26;
	s30 =	sor.u32 $0x60, s26  }
0xd: {  	v15 =	vor.u32 $0x380, v0;
	v1 =	vmov s26;
	s5 =	sadd.s32 s5, s6;
	s31 =	sor.u32 $0x70, s26;
	s8 =	simm.s32 $0x4;
	v2 =	vor.u32 s28, v0  }
0xe: {  	s9 =	simm.s32 $0x400;
	v3 =	vor.u32 s10, v0;
	v4 =	vor.u32 s11, v0;
	v5 =	vor.u32 s12, v0;
	s6 =	sadd.s32 $0x1000, s5;
	s7 =	smax.u32 s7, $0x1  }
0xf: {  	v6 =	vor.u32 s29, v0;
	v7 =	vor.u32 s30, v0;
	v8 =	vor.u32 s31, v0;
	s10 =	simm.s32 $0x100;
	s11 =	simm.s32 $0x900;
	s12 =	simm.s32 $0x500  }
.LBB2_1:
0x10: {  	[tilespmem:s3], [sflag:$0x4] =	stream.linear.gather [hbm4b:s4+s3], $0x80, $0x38;
	[tilespmem:$0x1100] =	vst v63  }
0x11: {  	_ =	swait.ge [sflag:s8], $0x80  }
0x12: {  	[sflag:s8] =	ssyncset.done $0x0  }
0x13: {  	[sflag:s8] =	ssyncadd.s32 $0xFFFFFF80  }
0x14: {  	v16 =	vld [tilespmem:$0x0]  }
0x15: {  	v17 =	vld [tilespmem:$0x10]  }
0x16: {  	v18 =	vld [tilespmem:$0x20]  }
0x17: {  	v51 =	vld [tilespmem:$0x70]  }
0x18: {  	v19 =	vld [tilespmem:$0x30]  }
0x19: {  	v20 =	vld [tilespmem:$0x40]  }
0x1a: {  	v21 =	vld [tilespmem:$0x50];
	v17 =	vshll.u32 v17, $0x10  }
0x1b: {  	v22 =	vld [tilespmem:$0x60];
	v18 =	vshll.u32 v18, $0x10;
	v17 =	vadd.s32 v2, v17  }
0x1c: {  	v55 =	vshll.u32 v51, $0x10;
	[tilespmem:$0x90] =	vst v17;
	v17 =	vadd.s32 v3, v18  }
0x1d: {  	v50 =	vshll.u32 v19, $0x10;
	v18 =	vadd.s32 v8, v55;
	[tilespmem:$0xA0] =	vst v17  }
0x1e: {  	v52 =	vshll.u32 v20, $0x10;
	v17 =	vadd.s32 v4, v50;
	[tilespmem:$0xF0] =	vst v18  }
0x1f: {  	v53 =	vshll.u32 v21, $0x10;
	[tilespmem:$0xB0] =	vst v17;
	v17 =	vadd.s32 v5, v52  }
0x20: {  	v16 =	vshll.u32 v16, $0x10;
	v54 =	vshll.u32 v22, $0x10;
	v56 =	vld [tilespmem:$0x90];
	[tilespmem:$0xC0] =	vst v17;
	v17 =	vadd.s32 v6, v53  }
0x21: {  	v16 =	vor.u32 v1, v16;
	[tilespmem:$0xD0] =	vst v17;
	v17 =	vadd.s32 v7, v54  }
0x22: {  	v59 =	vld [tilespmem:$0xF0];
	[tilespmem:$0xE0] =	vst v17;
	v17 =	vor.u32 v0, v16  }
0x23: {  	[tilespmem:$0x80] =	vst v17  }
0x24: {  	v57 =	vld [tilespmem:$0xB0];
	[tilespmem:$0x100] =	vst v17  }
0x25: {  	v17 =	vor.u32 v9, v16;
	[tilespmem:$0x110] =	vst v56  }
0x26: {  	[tilespmem:$0x180] =	vst v17  }
0x27: {  	v58 =	vld [tilespmem:$0xD0];
	v17 =	vor.u32 v10, v16;
	[tilespmem:$0x170] =	vst v59  }
0x28: {  	[tilespmem:$0x200] =	vst v17  }
0x29: {  	v17 =	vor.u32 v11, v16;
	[tilespmem:$0x130] =	vst v57  }
0x2a: {  	[tilespmem:$0x280] =	vst v17;
	v17 =	vor.u32 v12, v16  }
0x2b: {  	[tilespmem:$0x300] =	vst v17  }
0x2c: {  	v17 =	vor.u32 v13, v16;
	[tilespmem:$0x150] =	vst v58  }
0x2d: {  	[tilespmem:$0x380] =	vst v17;
	v17 =	vor.u32 v14, v16  }
0x2e: {  	v16 =	vor.u32 v15, v16;
	[tilespmem:$0x400] =	vst v17  }
0x2f: {  	[tilespmem:$0x480] =	vst v16;
	v16 =	vadd.s32 $0x80, v56  }
0x30: {  	v17 =	vld [tilespmem:$0xA0];
	[tilespmem:$0x190] =	vst v16;
	v16 =	vadd.s32 $0x100, v56  }
0x31: {  	[tilespmem:$0x210] =	vst v16;
	v16 =	vadd.s32 $0x180, v56  }
0x32: {  	[tilespmem:$0x290] =	vst v16;
	v16 =	vadd.s32 $0x200, v56  }
0x33: {  	[tilespmem:$0x310] =	vst v16;
	v16 =	vadd.s32 $0x280, v56  }
0x34: {  	[tilespmem:$0x390] =	vst v16  }
0x35: {  	v16 =	vadd.s32 $0x300, v56;
	[tilespmem:$0x120] =	vst v17  }
0x36: {  	[tilespmem:$0x410] =	vst v16;
	v16 =	vadd.s32 $0x380, v56  }
0x37: {  	[tilespmem:$0x490] =	vst v16;
	v16 =	vadd.s32 $0x80, v17  }
0x38: {  	[tilespmem:$0x1A0] =	vst v16;
	v16 =	vadd.s32 $0x100, v17  }
0x39: {  	[tilespmem:$0x220] =	vst v16;
	v16 =	vadd.s32 $0x180, v17  }
0x3a: {  	[tilespmem:$0x2A0] =	vst v16;
	v16 =	vadd.s32 $0x200, v17  }
0x3b: {  	[tilespmem:$0x320] =	vst v16;
	v16 =	vadd.s32 $0x280, v17  }
0x3c: {  	[tilespmem:$0x3A0] =	vst v16;
	v16 =	vadd.s32 $0x300, v17  }
0x3d: {  	[tilespmem:$0x420] =	vst v16;
	v16 =	vadd.s32 $0x380, v17  }
0x3e: {  	v17 =	vld [tilespmem:$0xC0];
	[tilespmem:$0x4A0] =	vst v16;
	v16 =	vadd.s32 $0x80, v57  }
0x3f: {  	[tilespmem:$0x1B0] =	vst v16;
	v16 =	vadd.s32 $0x100, v57  }
0x40: {  	[tilespmem:$0x230] =	vst v16;
	v16 =	vadd.s32 $0x180, v57  }
0x41: {  	[tilespmem:$0x2B0] =	vst v16;
	v16 =	vadd.s32 $0x200, v57  }
0x42: {  	[tilespmem:$0x330] =	vst v16  }
0x43: {  	v16 =	vadd.s32 $0x280, v57;
	[tilespmem:$0x140] =	vst v17  }
0x44: {  	[tilespmem:$0x3B0] =	vst v16;
	v16 =	vadd.s32 $0x300, v57  }
0x45: {  	[tilespmem:$0x430] =	vst v16;
	v16 =	vadd.s32 $0x380, v57  }
0x46: {  	[tilespmem:$0x4B0] =	vst v16;
	v16 =	vadd.s32 $0x80, v17  }
0x47: {  	[tilespmem:$0x1C0] =	vst v16;
	v16 =	vadd.s32 $0x100, v17  }
0x48: {  	[tilespmem:$0x240] =	vst v16;
	v16 =	vadd.s32 $0x180, v17  }
0x49: {  	[tilespmem:$0x2C0] =	vst v16;
	v16 =	vadd.s32 $0x200, v17  }
0x4a: {  	[tilespmem:$0x340] =	vst v16;
	v16 =	vadd.s32 $0x280, v17  }
0x4b: {  	[tilespmem:$0x3C0] =	vst v16;
	v16 =	vadd.s32 $0x300, v17  }
0x4c: {  	[tilespmem:$0x440] =	vst v16;
	v16 =	vadd.s32 $0x380, v17  }
0x4d: {  	v17 =	vld [tilespmem:$0xE0];
	[tilespmem:$0x4C0] =	vst v16;
	v16 =	vadd.s32 $0x80, v58  }
0x4e: {  	[tilespmem:$0x1D0] =	vst v16;
	v16 =	vadd.s32 $0x100, v58  }
0x4f: {  	[tilespmem:$0x250] =	vst v16;
	v16 =	vadd.s32 $0x180, v58  }
0x50: {  	[tilespmem:$0x2D0] =	vst v16;
	v16 =	vadd.s32 $0x200, v58  }
0x51: {  	[tilespmem:$0x350] =	vst v16  }
0x52: {  	v16 =	vadd.s32 $0x280, v58;
	[tilespmem:$0x160] =	vst v17  }
0x53: {  	[tilespmem:$0x3D0] =	vst v16;
	v16 =	vadd.s32 $0x300, v58  }
0x54: {  	[tilespmem:$0x450] =	vst v16;
	v16 =	vadd.s32 $0x380, v58  }
0x55: {  	[tilespmem:$0x4D0] =	vst v16;
	v16 =	vadd.s32 $0x80, v17  }
0x56: {  	[tilespmem:$0x1E0] =	vst v16;
	v16 =	vadd.s32 $0x100, v17  }
0x57: {  	[tilespmem:$0x260] =	vst v16;
	v16 =	vadd.s32 $0x180, v17  }
0x58: {  	[tilespmem:$0x2E0] =	vst v16;
	v16 =	vadd.s32 $0x200, v17  }
0x59: {  	[tilespmem:$0x360] =	vst v16;
	v16 =	vadd.s32 $0x280, v17  }
0x5a: {  	[tilespmem:$0x3E0] =	vst v16;
	v16 =	vadd.s32 $0x300, v17  }
0x5b: {  	[tilespmem:$0x460] =	vst v16;
	v16 =	vadd.s32 $0x380, v17  }
0x5c: {  	[tilespmem:$0x4E0] =	vst v16;
	v16 =	vadd.s32 $0x80, v59  }
0x5d: {  	[tilespmem:$0x1F0] =	vst v16;
	v16 =	vadd.s32 $0x100, v59  }
0x5e: {  	[tilespmem:$0x270] =	vst v16;
	v16 =	vadd.s32 $0x180, v59  }
0x5f: {  	[tilespmem:$0x2F0] =	vst v16;
	v16 =	vadd.s32 $0x200, v59  }
0x60: {  	[tilespmem:$0x370] =	vst v16;
	v16 =	vadd.s32 $0x280, v59  }
0x61: {  	[tilespmem:$0x3F0] =	vst v16;
	v16 =	vadd.s32 $0x300, v59  }
0x62: {  	[tilespmem:$0x470] =	vst v16;
	v16 =	vadd.s32 $0x380, v59  }
0x63: {  	[tilespmem:$0x4F0] =	vst v16  }
0x64: {  	[tilespmem:s11], [sflag:$0x1] =	stream.indirect.gather [hbm4b:s1+s9], $0x1, s10, s9, $0xb8;
	[tilespmem:$0x1100] =	vst v63  }
0x65: {  	v16 =	vld [tilespmem:$0x80];
	_ =	sdelay $0x4  }
0x66: {  	v17 =	vadd.s32 $0x8000, v16  }
0x67: {  	[tilespmem:$0x500] =	vst v17;
	v17 =	vadd.s32 $0x8080, v16  }
0x68: {  	[tilespmem:$0x580] =	vst v17;
	v17 =	vadd.s32 $0x8100, v16  }
0x69: {  	v60 =	vld [tilespmem:$0x90];
	[tilespmem:$0x600] =	vst v17;
	v17 =	vadd.s32 $0x8180, v16  }
0x6a: {  	[tilespmem:$0x680] =	vst v17;
	v17 =	vadd.s32 $0x8200, v16  }
0x6b: {  	[tilespmem:$0x700] =	vst v17;
	v17 =	vadd.s32 $0x8280, v16  }
0x6c: {  	[tilespmem:$0x780] =	vst v17;
	v17 =	vadd.s32 $0x8300, v16  }
0x6d: {  	v16 =	vadd.s32 $0x8380, v16;
	[tilespmem:$0x800] =	vst v17  }
0x6e: {  	[tilespmem:$0x880] =	vst v16;
	v16 =	vadd.s32 $0x8000, v60  }
0x6f: {  	[tilespmem:$0x510] =	vst v16;
	v16 =	vadd.s32 $0x8080, v60  }
0x70: {  	[tilespmem:$0x590] =	vst v16;
	v16 =	vadd.s32 $0x8100, v60  }
0x71: {  	v17 =	vld [tilespmem:$0xA0];
	[tilespmem:$0x610] =	vst v16;
	v16 =	vadd.s32 $0x8180, v60  }
0x72: {  	[tilespmem:$0x690] =	vst v16;
	v16 =	vadd.s32 $0x8200, v60  }
0x73: {  	[tilespmem:$0x710] =	vst v16;
	v16 =	vadd.s32 $0x8280, v60  }
0x74: {  	[tilespmem:$0x790] =	vst v16;
	v16 =	vadd.s32 $0x8300, v60  }
0x75: {  	[tilespmem:$0x810] =	vst v16;
	v16 =	vadd.s32 $0x8380, v60  }
0x76: {  	[tilespmem:$0x890] =	vst v16;
	v16 =	vadd.s32 $0x8000, v17  }
0x77: {  	[tilespmem:$0x520] =	vst v16;
	v16 =	vadd.s32 $0x8080, v17  }
0x78: {  	[tilespmem:$0x5A0] =	vst v16;
	v16 =	vadd.s32 $0x8100, v17  }
0x79: {  	v61 =	vld [tilespmem:$0xB0];
	[tilespmem:$0x620] =	vst v16;
	v16 =	vadd.s32 $0x8180, v17  }
0x7a: {  	[tilespmem:$0x6A0] =	vst v16;
	v16 =	vadd.s32 $0x8200, v17  }
0x7b: {  	[tilespmem:$0x720] =	vst v16;
	v16 =	vadd.s32 $0x8280, v17  }
0x7c: {  	[tilespmem:$0x7A0] =	vst v16;
	v16 =	vadd.s32 $0x8300, v17  }
0x7d: {  	[tilespmem:$0x820] =	vst v16;
	v16 =	vadd.s32 $0x8380, v17  }
0x7e: {  	[tilespmem:$0x8A0] =	vst v16;
	v16 =	vadd.s32 $0x8000, v61  }
0x7f: {  	[tilespmem:$0x530] =	vst v16;
	v16 =	vadd.s32 $0x8080, v61  }
0x80: {  	[tilespmem:$0x5B0] =	vst v16;
	v16 =	vadd.s32 $0x8100, v61  }
0x81: {  	v17 =	vld [tilespmem:$0xC0];
	[tilespmem:$0x630] =	vst v16;
	v16 =	vadd.s32 $0x8180, v61  }
0x82: {  	[tilespmem:$0x6B0] =	vst v16;
	v16 =	vadd.s32 $0x8200, v61  }
0x83: {  	[tilespmem:$0x730] =	vst v16;
	v16 =	vadd.s32 $0x8280, v61  }
0x84: {  	[tilespmem:$0x7B0] =	vst v16;
	v16 =	vadd.s32 $0x8300, v61  }
0x85: {  	[tilespmem:$0x830] =	vst v16;
	v16 =	vadd.s32 $0x8380, v61  }
0x86: {  	[tilespmem:$0x8B0] =	vst v16;
	v16 =	vadd.s32 $0x8000, v17  }
0x87: {  	[tilespmem:$0x540] =	vst v16;
	v16 =	vadd.s32 $0x8080, v17  }
0x88: {  	[tilespmem:$0x5C0] =	vst v16;
	v16 =	vadd.s32 $0x8100, v17  }
0x89: {  	v62 =	vld [tilespmem:$0xD0];
	[tilespmem:$0x640] =	vst v16;
	v16 =	vadd.s32 $0x8180, v17  }
0x8a: {  	[tilespmem:$0x6C0] =	vst v16;
	v16 =	vadd.s32 $0x8200, v17  }
0x8b: {  	[tilespmem:$0x740] =	vst v16;
	v16 =	vadd.s32 $0x8280, v17  }
0x8c: {  	[tilespmem:$0x7C0] =	vst v16;
	v16 =	vadd.s32 $0x8300, v17  }
0x8d: {  	[tilespmem:$0x840] =	vst v16;
	v16 =	vadd.s32 $0x8380, v17  }
0x8e: {  	[tilespmem:$0x8C0] =	vst v16;
	v16 =	vadd.s32 $0x8000, v62  }
0x8f: {  	[tilespmem:$0x550] =	vst v16;
	v16 =	vadd.s32 $0x8080, v62  }
0x90: {  	[tilespmem:$0x5D0] =	vst v16;
	v16 =	vadd.s32 $0x8100, v62  }
0x91: {  	v17 =	vld [tilespmem:$0xE0];
	[tilespmem:$0x650] =	vst v16;
	v16 =	vadd.s32 $0x8180, v62  }
0x92: {  	[tilespmem:$0x6D0] =	vst v16;
	v16 =	vadd.s32 $0x8200, v62  }
0x93: {  	[tilespmem:$0x750] =	vst v16;
	v16 =	vadd.s32 $0x8280, v62  }
0x94: {  	[tilespmem:$0x7D0] =	vst v16;
	v16 =	vadd.s32 $0x8300, v62  }
0x95: {  	[tilespmem:$0x850] =	vst v16;
	v16 =	vadd.s32 $0x8380, v62  }
0x96: {  	[tilespmem:$0x8D0] =	vst v16;
	v16 =	vadd.s32 $0x8000, v17  }
0x97: {  	[tilespmem:$0x560] =	vst v16;
	v16 =	vadd.s32 $0x8080, v17  }
0x98: {  	[tilespmem:$0x5E0] =	vst v16;
	v16 =	vadd.s32 $0x8100, v17  }
0x99: {  	v63 =	vld [tilespmem:$0xF0];
	[tilespmem:$0x660] =	vst v16;
	v16 =	vadd.s32 $0x8180, v17  }
0x9a: {  	[tilespmem:$0x6E0] =	vst v16;
	v16 =	vadd.s32 $0x8200, v17  }
0x9b: {  	[tilespmem:$0x760] =	vst v16;
	v16 =	vadd.s32 $0x8280, v17  }
0x9c: {  	[tilespmem:$0x7E0] =	vst v16;
	v16 =	vadd.s32 $0x8300, v17  }
0x9d: {  	[tilespmem:$0x860] =	vst v16;
	v16 =	vadd.s32 $0x8380, v17  }
0x9e: {  	[tilespmem:$0x8E0] =	vst v16;
	v16 =	vadd.s32 $0x8000, v63  }
0x9f: {  	[tilespmem:$0x570] =	vst v16;
	v16 =	vadd.s32 $0x8080, v63  }
0xa0: {  	[tilespmem:$0x5F0] =	vst v16;
	v16 =	vadd.s32 $0x8100, v63  }
0xa1: {  	[tilespmem:$0x670] =	vst v16;
	v16 =	vadd.s32 $0x8180, v63  }
0xa2: {  	[tilespmem:$0x6F0] =	vst v16;
	v16 =	vadd.s32 $0x8200, v63  }
0xa3: {  	[tilespmem:$0x770] =	vst v16;
	v16 =	vadd.s32 $0x8280, v63  }
0xa4: {  	[tilespmem:$0x7F0] =	vst v16;
	v16 =	vadd.s32 $0x8300, v63  }
0xa5: {  	[tilespmem:$0x870] =	vst v16;
	v16 =	vadd.s32 $0x8380, v63  }
0xa6: {  	[tilespmem:$0x8F0] =	vst v16  }
0xa7: {  	[tilespmem:s13], [sflag:$0x2] =	stream.indirect.gather [hbm4b:s1+s9], $0x1, s12, s9, $0xb8;
	[tilespmem:$0x1100] =	vst v63  }
0xa8: {  	_ =	swait.ge [sflag:s14], $0x400  }
0xa9: {  	[sflag:s14] =	ssyncset.done $0x0  }
0xaa: {  	[sflag:s14] =	ssyncadd.s32 $0xFFFFFC00  }
0xab: {  	[hbm4b:s5+s3] =	stream.linear.scatter [tilespmem:s11], [sflag:$0x3], $0x400, $0x38;
	[tilespmem:$0x1100] =	vst v63  }
0xac: {  	_ =	swait.ge [sflag:s15], $0x400  }
0xad: {  	[sflag:s15] =	ssyncset.done $0x0  }
0xae: {  	[sflag:s15] =	ssyncadd.s32 $0xFFFFFC00  }
0xaf: {  	[hbm4b:s6+s3] =	stream.linear.scatter [tilespmem:s13], [sflag:$0x3], $0x400, $0x38;
	[tilespmem:$0x1100] =	vst v63  }
0xb0: {  	p0 =	sne.s32 s7, $0x1;
	_ =	swait.ge [sflag:s16], $0x400  }
.Ltmp0:
0xb1: {  	[sflag:s16] =	ssyncset.done $0x0;
	(pc) =	sbr.rel @p0 .LBB2_1-.Ltmp0, $4  }
0xb2: {  	[sflag:s16] =	ssyncadd.s32 $0xFFFFFC00  }
0xb3: {  	_ =	swait.ge [sflag:s16], $0x400  }
0xb4: {  	[sflag:s16] =	ssyncset.done $0x0  }
0xb5: {  	s7 =	sadd.s32 $0xFFFFFFFF, s7;
	[sflag:s16] =	ssyncadd.s32 $0xFFFFFC00  }
0xb6: {  	_ =	sfence.sel $0x180000  }
0xb7: {  	[bflag:$0x0] =	sbarrier.arrive $0xFFFF  }
0xb8: {  	p0 =	sne.s32 s2, $0x0;
	_ =	strace $0x90000047  }
0xb9: {  	s0 =	sadd.s32 @!p0 $0x100000, s0;
	[bflag:$0x2] =	sbarrier.arrive $0xFFFF  }
0xba: {  	[sflag:s0] =	ssyncadd.tile.s32 @!p0 $0x1;
	_ =	shalt  }
.Lfunc_end2:
_tile_overlayer_lowered:
.L_overlay_start_2:
0xbb: {  	(tag) =	ssettag $0x2  }
0xbc: {  	s0 =	rddreg [dreg:$0x0];
	s2 =	stileid.u32  }
0xbd: {  	s1 =	rddreg [dreg:$0x1];
	p0 =	sne.s32 s2, $0x0  }
0xbe: {  	s3 =	rddreg [dreg:$0x2];
	[bflag:$0x3] =	sbarrier.arrive $0xFFFF;
	s2 =	simm.s32 @!p0 $0x1C04  }
0xbf: {  	[timem:s3], [sflag:s2] =	dma.local @!p0 [hbm:s0], s1  }
0xc0: {  	s0 =	simm.s32 @!p0 $0x4  }
0xc1: {  	_ =	swait.ge @!p0 [sflag:s0], s1  }
0xc2: {  	s1 =	ssub.s32 @!p0 $0x0, s1;
	[sflag:s0] =	ssyncset.done @!p0 $0x0  }
0xc3: {  	[sflag:s0] =	ssyncadd.s32 @!p0 s1  }
0xc4: {  	[bflag:$0x3] =	sbarrier.arrive $0xFFFF  }
0xc5: {  	_ =	shalt  }

</sc_bundles>
